<compile_context>
chip_gen: v7x
topology: tpu7x:2x2x1
jax: 0.10.2.dev20260603
libtpu: 0.0.44.dev20260713+nightly
codegen_flags: <defaults>
</compile_context>

<pallas_src>
import functools

import jax
import jax.numpy as jnp
from jax import lax
from jax.experimental import pallas as pl
from jax.experimental.pallas import tpu as pltpu
from jax.experimental.pallas import tpu_sc as plsc

NT = 16
NC = 2
CH = 128


def _sc_mesh():
    return plsc.VectorSubcoreMesh(core_axis_name="c", subcore_axis_name="s",
                                  num_cores=NC, num_subcores=NT)


def _make_hist(N, U, D, nch, ZC, OC, NR, interpret=False):

    @functools.partial(
        pl.kernel,
        out_type=jax.ShapeDtypeStruct((N, D), jnp.float32),
        mesh=_sc_mesh(),
        scratch_types=[
            pltpu.VMEM((nch, CH), jnp.int32),
            pltpu.VMEM((CH, D), jnp.float32),
            pltpu.VMEM_SHARED((NR, D), jnp.float32),
            pltpu.SemaphoreType.DMA,
            pltpu.SemaphoreType.DMA,
        ],
        interpret=interpret,
    )
    def hist(rows_hbm, ones_hbm, z16_hbm, deg_hbm, idx_v, ones_v, degbuf,
             sem0, sem1):
        sems = (sem0, sem1)
        c = lax.axis_index("c")
        s = lax.axis_index("s")
        z0 = jnp.minimum(s * ZC, NR - ZC)
        pltpu.sync_copy(z16_hbm, degbuf.at[pl.ds(z0, ZC)])
        pltpu.sync_copy(rows_hbm.at[c, s], idx_v)
        pltpu.sync_copy(ones_hbm, ones_v)
        plsc.subcore_barrier()

        @pl.loop(0, nch, step=2)
        def _(j0):
            for b in (0, 1):
                j = j0 + b

                @pl.when(j >= 2)
                def _():
                    pltpu.make_async_copy(ones_v, degbuf.at[idx_v.at[0]],
                                          sems[b]).wait()

                pltpu.async_copy(ones_v, degbuf.at[idx_v.at[j]], sems[b],
                                 add=True)

        for b in (0, 1):
            pltpu.make_async_copy(ones_v, degbuf.at[idx_v.at[0]],
                                  sems[b]).wait()
        plsc.subcore_barrier()
        l0 = jnp.minimum(s * OC, U - OC)
        pltpu.sync_copy(degbuf.at[pl.ds(l0, OC)],
                        deg_hbm.at[pl.ds(c * U + l0, OC)])

    return hist


def _make_spmm(N, U, D, nch, ZC, OC, NR, interpret=False):
    NB = 3

    @functools.partial(
        pl.kernel,
        out_type=jax.ShapeDtypeStruct((N, D), jnp.float32),
        mesh=_sc_mesh(),
        scratch_types=[
            pltpu.VMEM((nch, CH), jnp.int32),
            pltpu.VMEM((nch, CH), jnp.int32),
            pltpu.VMEM((CH, D), jnp.float32),
            pltpu.VMEM((CH, D), jnp.float32),
            pltpu.VMEM_SHARED((NR, D), jnp.float32),
            pltpu.SemaphoreType.DMA,
            pltpu.SemaphoreType.DMA,
            pltpu.SemaphoreType.DMA,
            pltpu.SemaphoreType.DMA,
        ],
        interpret=interpret,
    )
    def spmm(t_hbm, rows_hbm, cols_hbm, z_hbm, out_hbm,
             idx_r, idx_c, buf0, buf1, sbuf,
             g0, g1, s0, s1):
        bufs = (buf0, buf1)
        gsems = (g0, g1)
        ssems = (s0, s1)
        c = lax.axis_index("c")
        s = lax.axis_index("s")
        z0 = jnp.minimum(s * ZC, NR - ZC)
        pltpu.sync_copy(z_hbm, sbuf.at[pl.ds(z0, ZC)])
        pltpu.sync_copy(rows_hbm.at[c, s], idx_r)
        pltpu.sync_copy(cols_hbm.at[c, s], idx_c)
        pltpu.async_copy(t_hbm.at[idx_c.at[0]], bufs[0], gsems[0])
        plsc.subcore_barrier()

        @pl.loop(0, nch, step=2)
        def _(j0):
            for b in (0, 1):
                j = j0 + b
                pf = 1 - b

                @pl.when(j > 0)
                def _():
                    pltpu.make_async_copy(
                        bufs[pf], sbuf.at[idx_r.at[0]], ssems[pf]).wait()

                @pl.when(j + 1 < nch)
                def _():
                    pltpu.async_copy(t_hbm.at[idx_c.at[j + 1]],
                                     bufs[pf], gsems[pf])

                pltpu.make_async_copy(t_hbm.at[idx_c.at[0]], bufs[b],
                                      gsems[b]).wait()
                pltpu.async_copy(bufs[b], sbuf.at[idx_r.at[j]], ssems[b],
                                 add=True)

        pltpu.make_async_copy(bufs[1], sbuf.at[idx_r.at[0]],
                              ssems[1]).wait()
        plsc.subcore_barrier()
        l0 = jnp.minimum(s * OC, U - OC)
        pltpu.sync_copy(sbuf.at[pl.ds(l0, OC)],
                        out_hbm.at[pl.ds(c * U + l0, OC)])

    return spmm


def _tc_call(body, out_shapes, *args, interpret=False):
    return pl.pallas_call(
        body,
        out_shape=[jax.ShapeDtypeStruct(s, jnp.float32) for s in out_shapes],
        interpret=interpret,
    )(*args)


def _scale_body(U, deg_ref, u_ref, i_ref, dinv_ref, t0_ref):
    dinv = lax.rsqrt(deg_ref[...][:, :16] + 1e-7)
    dinv_ref[...] = dinv
    t0_ref[:U, :] = u_ref[...] * dinv[:U, :1]
    t0_ref[U:, :] = i_ref[...] * dinv[U:, :1]


def _hgnn_body(U, u_ref, i_ref, eu_ref, ei_ref, h_ref):
    uE = u_ref[...]
    iE = i_ref[...]
    pu = lax.dot_general(uE, eu_ref[...], (((0,), (0,)), ((), ())),
                         preferred_element_type=jnp.float32)
    h_ref[:U, :] = jnp.dot(uE, pu, preferred_element_type=jnp.float32)
    pi = lax.dot_general(iE, ei_ref[...], (((0,), (0,)), ((), ())),
                         preferred_element_type=jnp.float32)
    h_ref[U:, :] = jnp.dot(iE, pi, preferred_element_type=jnp.float32)


def _mid_body(s1_ref, h1_ref, dinv_ref, tem1_ref, lats1_ref, t1_ref):
    dinv = dinv_ref[...][:, :1]
    tem1 = dinv * s1_ref[...]
    lats1 = tem1 + h1_ref[...]
    tem1_ref[...] = tem1
    lats1_ref[...] = lats1
    t1_ref[...] = dinv * lats1


def _final_body(U, s2_ref, h2_ref, tem1_ref, h1_ref, dinv_ref, u_ref, i_ref,
                tem2_ref, out_ref):
    dinv = dinv_ref[...][:, :1]
    tem2 = dinv * s2_ref[...]
    tem2_ref[...] = tem2
    acc = tem1_ref[...] + h1_ref[...] + tem2 + h2_ref[...]
    out_ref[:U, :] = u_ref[...] + acc[:U, :]
    out_ref[U:, :] = i_ref[...] + acc[U:, :]


def kernel(uEmbeds, iEmbeds, edge_index, interpret=False):
    U, D = uEmbeds.shape
    I = iEmbeds.shape[0]
    N = U + I
    E = edge_index.shape[0]
    assert U == I and D == 128

    nch = 2 * (-(-E // (NT * CH * 2)))
    Epad = NT * nch * CH
    NR = U + 8
    ZC = 8 * (-(-NR // (8 * NT)))
    OC = 8 * (-(-U // (8 * NT)))

    users = edge_index[:, 0]
    items = edge_index[:, 1]
    pad_i = jnp.arange(Epad - E, dtype=jnp.int32)

    def _deal(idx, pad):
        full = jnp.concatenate([idx, pad])
        return full.reshape(nch, NT, CH).swapaxes(0, 1)

    rows_p = jnp.stack([_deal(users, U + pad_i % 8),
                        _deal(items - U, U + pad_i % 8)]).reshape(
                            NC, NT, nch, CH)
    cols_p = jnp.stack([_deal(items, pad_i % CH),
                        _deal(users, pad_i % CH)]).reshape(NC, NT, nch, CH)

    zD = jnp.zeros((ZC, D), jnp.float32)
    onesD = jnp.ones((CH, D), jnp.float32)

    hist = _make_hist(N, U, D, nch, ZC, OC, NR, interpret=interpret)
    spmm = _make_spmm(N, U, D, nch, ZC, OC, NR, interpret=interpret)

    deg = hist(rows_p, onesD, zD)
    h1, = _tc_call(functools.partial(_hgnn_body, U), [(N, D)],
                   uEmbeds, iEmbeds, uEmbeds, iEmbeds, interpret=interpret)
    dinv16, t0 = _tc_call(functools.partial(_scale_body, U), [(N, 16), (N, D)],
                          deg, uEmbeds, iEmbeds, interpret=interpret)

    s1 = spmm(t0, rows_p, cols_p, zD)
    tem1, lats1, t1 = _tc_call(_mid_body, [(N, D), (N, D), (N, D)],
                               s1, h1, dinv16, interpret=interpret)

    s2 = spmm(t1, rows_p, cols_p, zD)
    h2, = _tc_call(functools.partial(_hgnn_body, U), [(N, D)],
                   uEmbeds, iEmbeds, lats1[:U], lats1[U:], interpret=interpret)
    tem2, out = _tc_call(functools.partial(_final_body, U), [(N, D), (N, D)],
                         s2, h2, tem1, h1, dinv16, uEmbeds, iEmbeds,
                         interpret=interpret)

    embeds = jnp.concatenate([uEmbeds, iEmbeds], axis=0)
    gnnLats = jnp.stack([embeds, tem1, tem2])
    hyperLats = jnp.stack([embeds, h1, h2])
    return (out, gnnLats, hyperLats)

# --- scband reference (transcript-rebuilt; emitter-appended) ---
"""Pipeline reference for scband-hccf-42932493091124 (READ-ONLY COPY).

The authoritative reference and input builder live on the scoring server;
editing this copy changes nothing except your own understanding.
"""

import jax, jax.numpy as jnp
import numpy as np

NUM_USER = 5000
NUM_ITEM = 5000
N_EDGES = 320000
DIM_E = 128
N_LAYERS = 2
MULT = 1.0


def setup_inputs(seed: int = 0) -> dict:
    key = jax.random.key(seed)
    k1, k2 = jax.random.split(key)
    uEmbeds = jax.random.normal(k1, (NUM_USER, DIM_E), dtype=jnp.float32) * 0.05
    iEmbeds = jax.random.normal(k2, (NUM_ITEM, DIM_E), dtype=jnp.float32) * 0.05
    # unique user-item pairs (matches the dok_matrix deduplication in torch init)
    rng = np.random.default_rng(0)
    codes = rng.choice(NUM_USER * NUM_ITEM, size=N_EDGES, replace=False)
    users = codes // NUM_ITEM
    items = codes % NUM_ITEM + NUM_USER
    edge_index = jnp.asarray(np.stack([users, items], axis=1), dtype=jnp.int32)
    return {"uEmbeds": uEmbeds, "iEmbeds": iEmbeds, "edge_index": edge_index}


def reference(uEmbeds, iEmbeds, edge_index):
    num_user = uEmbeds.shape[0]
    N = num_user + iEmbeds.shape[0]
    # symmetric normalized adjacency (get_norm_adj_mat)
    row = jnp.concatenate([edge_index[:, 0], edge_index[:, 1]])
    col = jnp.concatenate([edge_index[:, 1], edge_index[:, 0]])
    deg = jnp.bincount(row, length=N).astype(jnp.float32)
    dinv = jnp.power(deg + 1e-7, -0.5)
    vals = dinv[row] * dinv[col]

    def spmm(e):
        # gcn_layer: torch.spmm(adj, embeds) -> gather + scatter-add
        return jax.ops.segment_sum(e[col] * vals[:, None], row, num_segments=N)

    def hgnn(adj, e):
        # hgnn_layer: adj @ (adj.T @ embeds)
        return adj @ (adj.T @ e)

    embeds = jnp.concatenate([uEmbeds, iEmbeds], axis=0)
    lats = [embeds]
    gnnLats = [embeds]
    hyperLats = [embeds]
    uuHyper = uEmbeds * MULT
    iiHyper = iEmbeds * MULT
    # keepRate=1.0 -> sp_adj_drop_edge is identity and F.dropout(p=0) is identity
    for _ in range(N_LAYERS):
        temEmbeds = spmm(lats[-1])
        hyperULat = hgnn(uuHyper, lats[-1][:num_user])
        hyperILat = hgnn(iiHyper, lats[-1][num_user:])
        gnnLats.append(temEmbeds)
        h = jnp.concatenate([hyperULat, hyperILat], axis=0)
        hyperLats.append(h)
        lats.append(temEmbeds + h)
    out = lats[0]
    for l in lats[1:]:
        out = out + l
    return (out, jnp.stack(gnnLats), jnp.stack(hyperLats))

if __name__ == "__main__":
    import jax
    _d = setup_inputs()
    print(jax.jit(kernel)(*tuple(_d.values())))

</pallas_src>

<mosaic_0001>
#map = affine_map<(d0, d1) -> (0, 0, 0, 0)>
#map1 = affine_map<(d0, d1) -> (0, 0)>
module attributes {stable_mosaic.version = 14 : i64} {
  func.func @hist(%arg0: i32, %arg1: i32, %arg2: memref<2x16x158x128xi32, #tpu.memory_space<hbm>>, %arg3: memref<128x128xf32, #tpu.memory_space<hbm>>, %arg4: memref<320x128xf32, #tpu.memory_space<hbm>>, %arg5: memref<10000x128xf32, #tpu.memory_space<hbm>>, %arg6: memref<158x128xi32, #tpu.memory_space<vmem>>, %arg7: memref<128x128xf32, #tpu.memory_space<vmem>>, %arg8: memref<5008x128xf32, #tpu.memory_space<vmem_shared>>, %arg9: memref<!tpu.dma_semaphore, #tpu.memory_space<semaphore_mem>>, %arg10: memref<!tpu.dma_semaphore, #tpu.memory_space<semaphore_mem>>) attributes {dimension_semantics = [#tpu.dimension_semantics<core_parallel>, #tpu.dimension_semantics<subcore_parallel>], iteration_bounds = array<i64: 2, 16>, scalar_prefetch = 0 : i64, scratch_operands = 5 : i64, tpu.core_type = #tpu.core_type<sc_vector_subcore>, window_params = [{transform_indices = #map}, {transform_indices = #map1}, {transform_indices = #map1}, {transform_indices = #map1}]} {
    %mul3A = arith.constant 320 : i32
    %mul3A_0 = arith.muli %arg1, %mul3A : i32
    %min3A = arith.constant 4688 : i32
    %min3A_1 = arith.minsi %mul3A_0, %min3A : i32
    "tpu.region"() ({
      %run_scoped3A = tpu.sem_alloc : memref<!tpu.dma_semaphore, #tpu.memory_space<semaphore_mem>>
      %dma_start3A = arith.constant 0 : i32
      %dma_start3A_26 = tpu.memref_slice %arg8[%min3A_1, %dma_start3A] : memref<5008x128xf32, #tpu.memory_space<vmem_shared>> -> memref<320x128xf32, #tpu.memory_space<vmem_shared>>
      tpu.enqueue_dma source(%arg4 : memref<320x128xf32, #tpu.memory_space<hbm>>) target(%dma_start3A_26 : memref<320x128xf32, #tpu.memory_space<vmem_shared>>) target_semaphore(%run_scoped3A : memref<!tpu.dma_semaphore, #tpu.memory_space<semaphore_mem>>)
      %dma_wait3A_27 = arith.constant 0 : i32
      %dma_wait3A_28 = tpu.memref_slice %arg8[%min3A_1, %dma_wait3A_27] : memref<5008x128xf32, #tpu.memory_space<vmem_shared>> -> memref<320x128xf32, #tpu.memory_space<vmem_shared>>
      tpu.wait_dma2 semaphore(%run_scoped3A : memref<!tpu.dma_semaphore, #tpu.memory_space<semaphore_mem>>) src(%arg4 : memref<320x128xf32, #tpu.memory_space<hbm>>) dst(%dma_wait3A_28 : memref<320x128xf32, #tpu.memory_space<vmem_shared>>)
      tpu.yield
    }) : () -> ()
    "tpu.region"() ({
      %run_scoped3A = tpu.sem_alloc : memref<!tpu.dma_semaphore, #tpu.memory_space<semaphore_mem>>
      %dma_start3A = arith.constant 0 : i32
      %dma_start3A_26 = arith.constant 0 : i32
      %dma_start3A_27 = tpu.memref_slice %arg2[%arg0, %arg1, %dma_start3A, %dma_start3A_26] : memref<2x16x158x128xi32, #tpu.memory_space<hbm>> -> memref<1x1x158x128xi32, #tpu.memory_space<hbm>>
      %dma_start3A_28 = tpu.memref_squeeze %dma_start3A_27 : memref<1x1x158x128xi32, #tpu.memory_space<hbm>> -> memref<158x128xi32, #tpu.memory_space<hbm>>
      %dma_start3A_29 = arith.constant 0 : i32
      %dma_start3A_30 = arith.constant 0 : i32
      %dma_start3A_31 = tpu.memref_slice %arg2[%arg0, %arg1, %dma_start3A_29, %dma_start3A_30] : memref<2x16x158x128xi32, #tpu.memory_space<hbm>> -> memref<1x1x158x128xi32, #tpu.memory_space<hbm>>
      %dma_start3A_32 = tpu.memref_squeeze %dma_start3A_31 : memref<1x1x158x128xi32, #tpu.memory_space<hbm>> -> memref<158x128xi32, #tpu.memory_space<hbm>>
      tpu.enqueue_dma source(%dma_start3A_32 : memref<158x128xi32, #tpu.memory_space<hbm>>) target(%arg6 : memref<158x128xi32, #tpu.memory_space<vmem>>) target_semaphore(%run_scoped3A : memref<!tpu.dma_semaphore, #tpu.memory_space<semaphore_mem>>)
      %dma_wait3A_33 = arith.constant 0 : i32
      %dma_wait3A_34 = arith.constant 0 : i32
      %dma_wait3A_35 = tpu.memref_slice %arg2[%arg0, %arg1, %dma_wait3A_33, %dma_wait3A_34] : memref<2x16x158x128xi32, #tpu.memory_space<hbm>> -> memref<1x1x158x128xi32, #tpu.memory_space<hbm>>
      %dma_wait3A_36 = tpu.memref_squeeze %dma_wait3A_35 : memref<1x1x158x128xi32, #tpu.memory_space<hbm>> -> memref<158x128xi32, #tpu.memory_space<hbm>>
      %dma_wait3A_37 = arith.constant 0 : i32
      %dma_wait3A_38 = arith.constant 0 : i32
      %dma_wait3A_39 = tpu.memref_slice %arg2[%arg0, %arg1, %dma_wait3A_37, %dma_wait3A_38] : memref<2x16x158x128xi32, #tpu.memory_space<hbm>> -> memref<1x1x158x128xi32, #tpu.memory_space<hbm>>
      %dma_wait3A_40 = tpu.memref_squeeze %dma_wait3A_39 : memref<1x1x158x128xi32, #tpu.memory_space<hbm>> -> memref<158x128xi32, #tpu.memory_space<hbm>>
      tpu.wait_dma2 semaphore(%run_scoped3A : memref<!tpu.dma_semaphore, #tpu.memory_space<semaphore_mem>>) src(%dma_wait3A_40 : memref<158x128xi32, #tpu.memory_space<hbm>>) dst(%arg6 : memref<158x128xi32, #tpu.memory_space<vmem>>)
      tpu.yield
    }) : () -> ()
    "tpu.region"() ({
      %run_scoped3A = tpu.sem_alloc : memref<!tpu.dma_semaphore, #tpu.memory_space<semaphore_mem>>
      tpu.enqueue_dma source(%arg3 : memref<128x128xf32, #tpu.memory_space<hbm>>) target(%arg7 : memref<128x128xf32, #tpu.memory_space<vmem>>) target_semaphore(%run_scoped3A : memref<!tpu.dma_semaphore, #tpu.memory_space<semaphore_mem>>)
      tpu.wait_dma2 semaphore(%run_scoped3A : memref<!tpu.dma_semaphore, #tpu.memory_space<semaphore_mem>>) src(%arg3 : memref<128x128xf32, #tpu.memory_space<hbm>>) dst(%arg7 : memref<128x128xf32, #tpu.memory_space<vmem>>)
      tpu.yield
    }) : () -> ()
    %barrier3A = arith.constant 0 : index
    tpu.barrier barrier_id(%barrier3A)
    %scan3A = arith.constant 0 : i32
    %scan3A_2 = arith.constant 79 : i32
    %scan3A_3 = arith.addi %scan3A, %scan3A_2 : i32
    %scan3A_4 = arith.constant 1 : i32
    scf.for %scan3A_26 = %scan3A to %scan3A_3 step %scan3A_4  : i32 {
      %mul3A_27 = arith.constant 2 : i32
      %mul3A_28 = arith.muli %scan3A_26, %mul3A_27 : i32
      %add3A_29 = arith.constant 0 : i32
      %add3A_30 = arith.addi %add3A_29, %mul3A_28 : i32
      %add3A_31 = arith.constant 0 : i32
      %add3A_32 = arith.addi %add3A_30, %add3A_31 : i32
      %ge3A = arith.constant 2 : i32
      %ge3A_33 = arith.cmpi sge, %add3A_32, %ge3A : i32
      %convert_element_type3A = arith.extui %ge3A_33 : i1 to i32
      %cond3A = arith.constant 0 : i32
      %cond3A_34 = arith.cmpi ne, %convert_element_type3A, %cond3A : i32
      scf.if %cond3A_34 {
        %dma_wait3A_53 = arith.constant 0 : i32
        %dma_wait3A_54 = arith.constant 0 : i32
        %dma_wait3A_55 = tpu.memref_slice %arg6[%dma_wait3A_53, %dma_wait3A_54] : memref<158x128xi32, #tpu.memory_space<vmem>> -> memref<1x128xi32, #tpu.memory_space<vmem>>
        %dma_wait3A_56 = tpu.memref_squeeze %dma_wait3A_55 : memref<1x128xi32, #tpu.memory_space<vmem>> -> memref<128xi32, #tpu.memory_space<vmem>>
        %dma_wait3A_57 = arith.constant 0 : i32
        %dma_wait3A_58 = arith.constant 0 : i32
        %dma_wait3A_59 = tpu.memref_slice %arg8[%dma_wait3A_57, %dma_wait3A_58] : memref<5008x128xf32, #tpu.memory_space<vmem_shared>> -> memref<5008x128xf32, #tpu.memory_space<vmem_shared>>
        tpu.wait_indirect_dma semaphore(%arg9 : memref<!tpu.dma_semaphore, #tpu.memory_space<semaphore_mem>>) src(%arg7 : memref<128x128xf32, #tpu.memory_space<vmem>>) dst(%dma_wait3A_59 : memref<5008x128xf32, #tpu.memory_space<vmem_shared>>)
      } else {
      }
      %dma_start3A = arith.constant 0 : i32
      %dma_start3A_35 = tpu.memref_slice %arg6[%add3A_32, %dma_start3A] : memref<158x128xi32, #tpu.memory_space<vmem>> -> memref<1x128xi32, #tpu.memory_space<vmem>>
      %dma_start3A_36 = tpu.memref_squeeze %dma_start3A_35 : memref<1x128xi32, #tpu.memory_space<vmem>> -> memref<128xi32, #tpu.memory_space<vmem>>
      %dma_start3A_37 = arith.constant 0 : i32
      %dma_start3A_38 = arith.constant 0 : i32
      %dma_start3A_39 = tpu.memref_slice %arg8[%dma_start3A_37, %dma_start3A_38] : memref<5008x128xf32, #tpu.memory_space<vmem_shared>> -> memref<5008x128xf32, #tpu.memory_space<vmem_shared>>
      tpu.enqueue_indirect_dma source(%arg7 : memref<128x128xf32, #tpu.memory_space<vmem>>) target(%dma_start3A_39 : memref<5008x128xf32, #tpu.memory_space<vmem_shared>>) offsets(%dma_start3A_36 : memref<128xi32, #tpu.memory_space<vmem>>) semaphore(%arg9 : memref<!tpu.dma_semaphore, #tpu.memory_space<semaphore_mem>>) {add = true}
      %add3A_40 = arith.constant 1 : i32
      %add3A_41 = arith.addi %add3A_30, %add3A_40 : i32
      %ge3A_42 = arith.constant 2 : i32
      %ge3A_43 = arith.cmpi sge, %add3A_41, %ge3A_42 : i32
      %convert_element_type3A_44 = arith.extui %ge3A_43 : i1 to i32
      %cond3A_45 = arith.constant 0 : i32
      %cond3A_46 = arith.cmpi ne, %convert_element_type3A_44, %cond3A_45 : i32
      scf.if %cond3A_46 {
        %dma_wait3A_53 = arith.constant 0 : i32
        %dma_wait3A_54 = arith.constant 0 : i32
        %dma_wait3A_55 = tpu.memref_slice %arg6[%dma_wait3A_53, %dma_wait3A_54] : memref<158x128xi32, #tpu.memory_space<vmem>> -> memref<1x128xi32, #tpu.memory_space<vmem>>
        %dma_wait3A_56 = tpu.memref_squeeze %dma_wait3A_55 : memref<1x128xi32, #tpu.memory_space<vmem>> -> memref<128xi32, #tpu.memory_space<vmem>>
        %dma_wait3A_57 = arith.constant 0 : i32
        %dma_wait3A_58 = arith.constant 0 : i32
        %dma_wait3A_59 = tpu.memref_slice %arg8[%dma_wait3A_57, %dma_wait3A_58] : memref<5008x128xf32, #tpu.memory_space<vmem_shared>> -> memref<5008x128xf32, #tpu.memory_space<vmem_shared>>
        tpu.wait_indirect_dma semaphore(%arg10 : memref<!tpu.dma_semaphore, #tpu.memory_space<semaphore_mem>>) src(%arg7 : memref<128x128xf32, #tpu.memory_space<vmem>>) dst(%dma_wait3A_59 : memref<5008x128xf32, #tpu.memory_space<vmem_shared>>)
      } else {
      }
      %dma_start3A_47 = arith.constant 0 : i32
      %dma_start3A_48 = tpu.memref_slice %arg6[%add3A_41, %dma_start3A_47] : memref<158x128xi32, #tpu.memory_space<vmem>> -> memref<1x128xi32, #tpu.memory_space<vmem>>
      %dma_start3A_49 = tpu.memref_squeeze %dma_start3A_48 : memref<1x128xi32, #tpu.memory_space<vmem>> -> memref<128xi32, #tpu.memory_space<vmem>>
      %dma_start3A_50 = arith.constant 0 : i32
      %dma_start3A_51 = arith.constant 0 : i32
      %dma_start3A_52 = tpu.memref_slice %arg8[%dma_start3A_50, %dma_start3A_51] : memref<5008x128xf32, #tpu.memory_space<vmem_shared>> -> memref<5008x128xf32, #tpu.memory_space<vmem_shared>>
      tpu.enqueue_indirect_dma source(%arg7 : memref<128x128xf32, #tpu.memory_space<vmem>>) target(%dma_start3A_52 : memref<5008x128xf32, #tpu.memory_space<vmem_shared>>) offsets(%dma_start3A_49 : memref<128xi32, #tpu.memory_space<vmem>>) semaphore(%arg10 : memref<!tpu.dma_semaphore, #tpu.memory_space<semaphore_mem>>) {add = true}
    }
    %scan3A_5 = arith.constant 79 : i32
    %dma_wait3A = arith.constant 0 : i32
    %dma_wait3A_6 = arith.constant 0 : i32
    %dma_wait3A_7 = tpu.memref_slice %arg6[%dma_wait3A, %dma_wait3A_6] : memref<158x128xi32, #tpu.memory_space<vmem>> -> memref<1x128xi32, #tpu.memory_space<vmem>>
    %dma_wait3A_8 = tpu.memref_squeeze %dma_wait3A_7 : memref<1x128xi32, #tpu.memory_space<vmem>> -> memref<128xi32, #tpu.memory_space<vmem>>
    %dma_wait3A_9 = arith.constant 0 : i32
    %dma_wait3A_10 = arith.constant 0 : i32
    %dma_wait3A_11 = tpu.memref_slice %arg8[%dma_wait3A_9, %dma_wait3A_10] : memref<5008x128xf32, #tpu.memory_space<vmem_shared>> -> memref<5008x128xf32, #tpu.memory_space<vmem_shared>>
    tpu.wait_indirect_dma semaphore(%arg9 : memref<!tpu.dma_semaphore, #tpu.memory_space<semaphore_mem>>) src(%arg7 : memref<128x128xf32, #tpu.memory_space<vmem>>) dst(%dma_wait3A_11 : memref<5008x128xf32, #tpu.memory_space<vmem_shared>>)
    %dma_wait3A_12 = arith.constant 0 : i32
    %dma_wait3A_13 = arith.constant 0 : i32
    %dma_wait3A_14 = tpu.memref_slice %arg6[%dma_wait3A_12, %dma_wait3A_13] : memref<158x128xi32, #tpu.memory_space<vmem>> -> memref<1x128xi32, #tpu.memory_space<vmem>>
    %dma_wait3A_15 = tpu.memref_squeeze %dma_wait3A_14 : memref<1x128xi32, #tpu.memory_space<vmem>> -> memref<128xi32, #tpu.memory_space<vmem>>
    %dma_wait3A_16 = arith.constant 0 : i32
    %dma_wait3A_17 = arith.constant 0 : i32
    %dma_wait3A_18 = tpu.memref_slice %arg8[%dma_wait3A_16, %dma_wait3A_17] : memref<5008x128xf32, #tpu.memory_space<vmem_shared>> -> memref<5008x128xf32, #tpu.memory_space<vmem_shared>>
    tpu.wait_indirect_dma semaphore(%arg10 : memref<!tpu.dma_semaphore, #tpu.memory_space<semaphore_mem>>) src(%arg7 : memref<128x128xf32, #tpu.memory_space<vmem>>) dst(%dma_wait3A_18 : memref<5008x128xf32, #tpu.memory_space<vmem_shared>>)
    %barrier3A_19 = arith.constant 0 : index
    tpu.barrier barrier_id(%barrier3A_19)
    %mul3A_20 = arith.constant 320 : i32
    %mul3A_21 = arith.muli %arg1, %mul3A_20 : i32
    %min3A_22 = arith.constant 4680 : i32
    %min3A_23 = arith.minsi %mul3A_21, %min3A_22 : i32
    %mul3A_24 = arith.constant 5000 : i32
    %mul3A_25 = arith.muli %arg0, %mul3A_24 : i32
    %add3A = arith.addi %mul3A_25, %min3A_23 : i32
    "tpu.region"() ({
      %run_scoped3A = tpu.sem_alloc : memref<!tpu.dma_semaphore, #tpu.memory_space<semaphore_mem>>
      %dma_start3A = arith.constant 0 : i32
      %dma_start3A_26 = tpu.memref_slice %arg5[%add3A, %dma_start3A] : memref<10000x128xf32, #tpu.memory_space<hbm>> -> memref<320x128xf32, #tpu.memory_space<hbm>>
      %dma_start3A_27 = arith.constant 0 : i32
      %dma_start3A_28 = tpu.memref_slice %arg8[%min3A_23, %dma_start3A_27] : memref<5008x128xf32, #tpu.memory_space<vmem_shared>> -> memref<320x128xf32, #tpu.memory_space<vmem_shared>>
      tpu.enqueue_dma source(%dma_start3A_28 : memref<320x128xf32, #tpu.memory_space<vmem_shared>>) target(%dma_start3A_26 : memref<320x128xf32, #tpu.memory_space<hbm>>) target_semaphore(%run_scoped3A : memref<!tpu.dma_semaphore, #tpu.memory_space<semaphore_mem>>)
      %dma_wait3A_29 = arith.constant 0 : i32
      %dma_wait3A_30 = tpu.memref_slice %arg5[%add3A, %dma_wait3A_29] : memref<10000x128xf32, #tpu.memory_space<hbm>> -> memref<320x128xf32, #tpu.memory_space<hbm>>
      %dma_wait3A_31 = arith.constant 0 : i32
      %dma_wait3A_32 = tpu.memref_slice %arg8[%min3A_23, %dma_wait3A_31] : memref<5008x128xf32, #tpu.memory_space<vmem_shared>> -> memref<320x128xf32, #tpu.memory_space<vmem_shared>>
      tpu.wait_dma2 semaphore(%run_scoped3A : memref<!tpu.dma_semaphore, #tpu.memory_space<semaphore_mem>>) src(%dma_wait3A_32 : memref<320x128xf32, #tpu.memory_space<vmem_shared>>) dst(%dma_wait3A_30 : memref<320x128xf32, #tpu.memory_space<hbm>>)
      tpu.yield
    }) : () -> ()
    return
  }
}

#map = affine_map<(d0, d1) -> (0, 0)>
#map1 = affine_map<(d0, d1) -> (0, 0, 0, 0)>
module attributes {stable_mosaic.version = 14 : i64} {
  func.func @spmm(%arg0: i32, %arg1: i32, %arg2: memref<10000x128xf32, #tpu.memory_space<hbm>>, %arg3: memref<2x16x158x128xi32, #tpu.memory_space<hbm>>, %arg4: memref<2x16x158x128xi32, #tpu.memory_space<hbm>>, %arg5: memref<320x128xf32, #tpu.memory_space<hbm>>, %arg6: memref<10000x128xf32, #tpu.memory_space<hbm>>, %arg7: memref<158x128xi32, #tpu.memory_space<vmem>>, %arg8: memref<158x128xi32, #tpu.memory_space<vmem>>, %arg9: memref<128x128xf32, #tpu.memory_space<vmem>>, %arg10: memref<128x128xf32, #tpu.memory_space<vmem>>, %arg11: memref<5008x128xf32, #tpu.memory_space<vmem_shared>>, %arg12: memref<!tpu.dma_semaphore, #tpu.memory_space<semaphore_mem>>, %arg13: memref<!tpu.dma_semaphore, #tpu.memory_space<semaphore_mem>>, %arg14: memref<!tpu.dma_semaphore, #tpu.memory_space<semaphore_mem>>, %arg15: memref<!tpu.dma_semaphore, #tpu.memory_space<semaphore_mem>>) attributes {dimension_semantics = [#tpu.dimension_semantics<core_parallel>, #tpu.dimension_semantics<subcore_parallel>], iteration_bounds = array<i64: 2, 16>, scalar_prefetch = 0 : i64, scratch_operands = 9 : i64, tpu.core_type = #tpu.core_type<sc_vector_subcore>, window_params = [{transform_indices = #map}, {transform_indices = #map1}, {transform_indices = #map1}, {transform_indices = #map}, {transform_indices = #map}]} {
    %mul3A = arith.constant 320 : i32
    %mul3A_0 = arith.muli %arg1, %mul3A : i32
    %min3A = arith.constant 4688 : i32
    %min3A_1 = arith.minsi %mul3A_0, %min3A : i32
    "tpu.region"() ({
      %run_scoped3A = tpu.sem_alloc : memref<!tpu.dma_semaphore, #tpu.memory_space<semaphore_mem>>
      %dma_start3A_25 = arith.constant 0 : i32
      %dma_start3A_26 = tpu.memref_slice %arg11[%min3A_1, %dma_start3A_25] : memref<5008x128xf32, #tpu.memory_space<vmem_shared>> -> memref<320x128xf32, #tpu.memory_space<vmem_shared>>
      tpu.enqueue_dma source(%arg5 : memref<320x128xf32, #tpu.memory_space<hbm>>) target(%dma_start3A_26 : memref<320x128xf32, #tpu.memory_space<vmem_shared>>) target_semaphore(%run_scoped3A : memref<!tpu.dma_semaphore, #tpu.memory_space<semaphore_mem>>)
      %dma_wait3A_27 = arith.constant 0 : i32
      %dma_wait3A_28 = tpu.memref_slice %arg11[%min3A_1, %dma_wait3A_27] : memref<5008x128xf32, #tpu.memory_space<vmem_shared>> -> memref<320x128xf32, #tpu.memory_space<vmem_shared>>
      tpu.wait_dma2 semaphore(%run_scoped3A : memref<!tpu.dma_semaphore, #tpu.memory_space<semaphore_mem>>) src(%arg5 : memref<320x128xf32, #tpu.memory_space<hbm>>) dst(%dma_wait3A_28 : memref<320x128xf32, #tpu.memory_space<vmem_shared>>)
      tpu.yield
    }) : () -> ()
    "tpu.region"() ({
      %run_scoped3A = tpu.sem_alloc : memref<!tpu.dma_semaphore, #tpu.memory_space<semaphore_mem>>
      %dma_start3A_25 = arith.constant 0 : i32
      %dma_start3A_26 = arith.constant 0 : i32
      %dma_start3A_27 = tpu.memref_slice %arg3[%arg0, %arg1, %dma_start3A_25, %dma_start3A_26] : memref<2x16x158x128xi32, #tpu.memory_space<hbm>> -> memref<1x1x158x128xi32, #tpu.memory_space<hbm>>
      %dma_start3A_28 = tpu.memref_squeeze %dma_start3A_27 : memref<1x1x158x128xi32, #tpu.memory_space<hbm>> -> memref<158x128xi32, #tpu.memory_space<hbm>>
      %dma_start3A_29 = arith.constant 0 : i32
      %dma_start3A_30 = arith.constant 0 : i32
      %dma_start3A_31 = tpu.memref_slice %arg3[%arg0, %arg1, %dma_start3A_29, %dma_start3A_30] : memref<2x16x158x128xi32, #tpu.memory_space<hbm>> -> memref<1x1x158x128xi32, #tpu.memory_space<hbm>>
      %dma_start3A_32 = tpu.memref_squeeze %dma_start3A_31 : memref<1x1x158x128xi32, #tpu.memory_space<hbm>> -> memref<158x128xi32, #tpu.memory_space<hbm>>
      tpu.enqueue_dma source(%dma_start3A_32 : memref<158x128xi32, #tpu.memory_space<hbm>>) target(%arg7 : memref<158x128xi32, #tpu.memory_space<vmem>>) target_semaphore(%run_scoped3A : memref<!tpu.dma_semaphore, #tpu.memory_space<semaphore_mem>>)
      %dma_wait3A_33 = arith.constant 0 : i32
      %dma_wait3A_34 = arith.constant 0 : i32
      %dma_wait3A_35 = tpu.memref_slice %arg3[%arg0, %arg1, %dma_wait3A_33, %dma_wait3A_34] : memref<2x16x158x128xi32, #tpu.memory_space<hbm>> -> memref<1x1x158x128xi32, #tpu.memory_space<hbm>>
      %dma_wait3A_36 = tpu.memref_squeeze %dma_wait3A_35 : memref<1x1x158x128xi32, #tpu.memory_space<hbm>> -> memref<158x128xi32, #tpu.memory_space<hbm>>
      %dma_wait3A_37 = arith.constant 0 : i32
      %dma_wait3A_38 = arith.constant 0 : i32
      %dma_wait3A_39 = tpu.memref_slice %arg3[%arg0, %arg1, %dma_wait3A_37, %dma_wait3A_38] : memref<2x16x158x128xi32, #tpu.memory_space<hbm>> -> memref<1x1x158x128xi32, #tpu.memory_space<hbm>>
      %dma_wait3A_40 = tpu.memref_squeeze %dma_wait3A_39 : memref<1x1x158x128xi32, #tpu.memory_space<hbm>> -> memref<158x128xi32, #tpu.memory_space<hbm>>
      tpu.wait_dma2 semaphore(%run_scoped3A : memref<!tpu.dma_semaphore, #tpu.memory_space<semaphore_mem>>) src(%dma_wait3A_40 : memref<158x128xi32, #tpu.memory_space<hbm>>) dst(%arg7 : memref<158x128xi32, #tpu.memory_space<vmem>>)
      tpu.yield
    }) : () -> ()
    "tpu.region"() ({
      %run_scoped3A = tpu.sem_alloc : memref<!tpu.dma_semaphore, #tpu.memory_space<semaphore_mem>>
      %dma_start3A_25 = arith.constant 0 : i32
      %dma_start3A_26 = arith.constant 0 : i32
      %dma_start3A_27 = tpu.memref_slice %arg4[%arg0, %arg1, %dma_start3A_25, %dma_start3A_26] : memref<2x16x158x128xi32, #tpu.memory_space<hbm>> -> memref<1x1x158x128xi32, #tpu.memory_space<hbm>>
      %dma_start3A_28 = tpu.memref_squeeze %dma_start3A_27 : memref<1x1x158x128xi32, #tpu.memory_space<hbm>> -> memref<158x128xi32, #tpu.memory_space<hbm>>
      %dma_start3A_29 = arith.constant 0 : i32
      %dma_start3A_30 = arith.constant 0 : i32
      %dma_start3A_31 = tpu.memref_slice %arg4[%arg0, %arg1, %dma_start3A_29, %dma_start3A_30] : memref<2x16x158x128xi32, #tpu.memory_space<hbm>> -> memref<1x1x158x128xi32, #tpu.memory_space<hbm>>
      %dma_start3A_32 = tpu.memref_squeeze %dma_start3A_31 : memref<1x1x158x128xi32, #tpu.memory_space<hbm>> -> memref<158x128xi32, #tpu.memory_space<hbm>>
      tpu.enqueue_dma source(%dma_start3A_32 : memref<158x128xi32, #tpu.memory_space<hbm>>) target(%arg8 : memref<158x128xi32, #tpu.memory_space<vmem>>) target_semaphore(%run_scoped3A : memref<!tpu.dma_semaphore, #tpu.memory_space<semaphore_mem>>)
      %dma_wait3A_33 = arith.constant 0 : i32
      %dma_wait3A_34 = arith.constant 0 : i32
      %dma_wait3A_35 = tpu.memref_slice %arg4[%arg0, %arg1, %dma_wait3A_33, %dma_wait3A_34] : memref<2x16x158x128xi32, #tpu.memory_space<hbm>> -> memref<1x1x158x128xi32, #tpu.memory_space<hbm>>
      %dma_wait3A_36 = tpu.memref_squeeze %dma_wait3A_35 : memref<1x1x158x128xi32, #tpu.memory_space<hbm>> -> memref<158x128xi32, #tpu.memory_space<hbm>>
      %dma_wait3A_37 = arith.constant 0 : i32
      %dma_wait3A_38 = arith.constant 0 : i32
      %dma_wait3A_39 = tpu.memref_slice %arg4[%arg0, %arg1, %dma_wait3A_37, %dma_wait3A_38] : memref<2x16x158x128xi32, #tpu.memory_space<hbm>> -> memref<1x1x158x128xi32, #tpu.memory_space<hbm>>
      %dma_wait3A_40 = tpu.memref_squeeze %dma_wait3A_39 : memref<1x1x158x128xi32, #tpu.memory_space<hbm>> -> memref<158x128xi32, #tpu.memory_space<hbm>>
      tpu.wait_dma2 semaphore(%run_scoped3A : memref<!tpu.dma_semaphore, #tpu.memory_space<semaphore_mem>>) src(%dma_wait3A_40 : memref<158x128xi32, #tpu.memory_space<hbm>>) dst(%arg8 : memref<158x128xi32, #tpu.memory_space<vmem>>)
      tpu.yield
    }) : () -> ()
    %dma_start3A = arith.constant 0 : i32
    %dma_start3A_2 = arith.constant 0 : i32
    %dma_start3A_3 = tpu.memref_slice %arg8[%dma_start3A, %dma_start3A_2] : memref<158x128xi32, #tpu.memory_space<vmem>> -> memref<1x128xi32, #tpu.memory_space<vmem>>
    %dma_start3A_4 = tpu.memref_squeeze %dma_start3A_3 : memref<1x128xi32, #tpu.memory_space<vmem>> -> memref<128xi32, #tpu.memory_space<vmem>>
    %dma_start3A_5 = arith.constant 0 : i32
    %dma_start3A_6 = arith.constant 0 : i32
    %dma_start3A_7 = tpu.memref_slice %arg2[%dma_start3A_5, %dma_start3A_6] : memref<10000x128xf32, #tpu.memory_space<hbm>> -> memref<10000x128xf32, #tpu.memory_space<hbm>>
    tpu.enqueue_indirect_dma source(%dma_start3A_7 : memref<10000x128xf32, #tpu.memory_space<hbm>>) target(%arg9 : memref<128x128xf32, #tpu.memory_space<vmem>>) offsets(%dma_start3A_4 : memref<128xi32, #tpu.memory_space<vmem>>) semaphore(%arg12 : memref<!tpu.dma_semaphore, #tpu.memory_space<semaphore_mem>>)
    %barrier3A = arith.constant 0 : index
    tpu.barrier barrier_id(%barrier3A)
    %scan3A = arith.constant 0 : i32
    %scan3A_8 = arith.constant 79 : i32
    %scan3A_9 = arith.addi %scan3A, %scan3A_8 : i32
    %scan3A_10 = arith.constant 1 : i32
    scf.for %scan3A_25 = %scan3A to %scan3A_9 step %scan3A_10  : i32 {
      %mul3A_26 = arith.constant 2 : i32
      %mul3A_27 = arith.muli %scan3A_25, %mul3A_26 : i32
      %add3A_28 = arith.constant 0 : i32
      %add3A_29 = arith.addi %add3A_28, %mul3A_27 : i32
      %add3A_30 = arith.constant 0 : i32
      %add3A_31 = arith.addi %add3A_29, %add3A_30 : i32
      %gt3A = arith.constant 0 : i32
      %gt3A_32 = arith.cmpi sgt, %add3A_31, %gt3A : i32
      %convert_element_type3A = arith.extui %gt3A_32 : i1 to i32
      %cond3A = arith.constant 0 : i32
      %cond3A_33 = arith.cmpi ne, %convert_element_type3A, %cond3A : i32
      scf.if %cond3A_33 {
        %dma_wait3A_80 = arith.constant 0 : i32
        %dma_wait3A_81 = arith.constant 0 : i32
        %dma_wait3A_82 = tpu.memref_slice %arg7[%dma_wait3A_80, %dma_wait3A_81] : memref<158x128xi32, #tpu.memory_space<vmem>> -> memref<1x128xi32, #tpu.memory_space<vmem>>
        %dma_wait3A_83 = tpu.memref_squeeze %dma_wait3A_82 : memref<1x128xi32, #tpu.memory_space<vmem>> -> memref<128xi32, #tpu.memory_space<vmem>>
        %dma_wait3A_84 = arith.constant 0 : i32
        %dma_wait3A_85 = arith.constant 0 : i32
        %dma_wait3A_86 = tpu.memref_slice %arg11[%dma_wait3A_84, %dma_wait3A_85] : memref<5008x128xf32, #tpu.memory_space<vmem_shared>> -> memref<5008x128xf32, #tpu.memory_space<vmem_shared>>
        tpu.wait_indirect_dma semaphore(%arg15 : memref<!tpu.dma_semaphore, #tpu.memory_space<semaphore_mem>>) src(%arg10 : memref<128x128xf32, #tpu.memory_space<vmem>>) dst(%dma_wait3A_86 : memref<5008x128xf32, #tpu.memory_space<vmem_shared>>)
      } else {
      }
      %add3A_34 = arith.constant 1 : i32
      %add3A_35 = arith.addi %add3A_31, %add3A_34 : i32
      %lt3A = arith.constant 158 : i32
      %lt3A_36 = arith.cmpi slt, %add3A_35, %lt3A : i32
      %convert_element_type3A_37 = arith.extui %lt3A_36 : i1 to i32
      %cond3A_38 = arith.constant 0 : i32
      %cond3A_39 = arith.cmpi ne, %convert_element_type3A_37, %cond3A_38 : i32
      scf.if %cond3A_39 {
        %add3A_80 = arith.constant 1 : i32
        %add3A_81 = arith.addi %add3A_31, %add3A_80 : i32
        %dma_start3A_82 = arith.constant 0 : i32
        %dma_start3A_83 = tpu.memref_slice %arg8[%add3A_81, %dma_start3A_82] : memref<158x128xi32, #tpu.memory_space<vmem>> -> memref<1x128xi32, #tpu.memory_space<vmem>>
        %dma_start3A_84 = tpu.memref_squeeze %dma_start3A_83 : memref<1x128xi32, #tpu.memory_space<vmem>> -> memref<128xi32, #tpu.memory_space<vmem>>
        %dma_start3A_85 = arith.constant 0 : i32
        %dma_start3A_86 = arith.constant 0 : i32
        %dma_start3A_87 = tpu.memref_slice %arg2[%dma_start3A_85, %dma_start3A_86] : memref<10000x128xf32, #tpu.memory_space<hbm>> -> memref<10000x128xf32, #tpu.memory_space<hbm>>
        tpu.enqueue_indirect_dma source(%dma_start3A_87 : memref<10000x128xf32, #tpu.memory_space<hbm>>) target(%arg10 : memref<128x128xf32, #tpu.memory_space<vmem>>) offsets(%dma_start3A_84 : memref<128xi32, #tpu.memory_space<vmem>>) semaphore(%arg13 : memref<!tpu.dma_semaphore, #tpu.memory_space<semaphore_mem>>)
      } else {
      }
      %dma_wait3A_40 = arith.constant 0 : i32
      %dma_wait3A_41 = arith.constant 0 : i32
      %dma_wait3A_42 = tpu.memref_slice %arg8[%dma_wait3A_40, %dma_wait3A_41] : memref<158x128xi32, #tpu.memory_space<vmem>> -> memref<1x128xi32, #tpu.memory_space<vmem>>
      %dma_wait3A_43 = tpu.memref_squeeze %dma_wait3A_42 : memref<1x128xi32, #tpu.memory_space<vmem>> -> memref<128xi32, #tpu.memory_space<vmem>>
      %dma_wait3A_44 = arith.constant 0 : i32
      %dma_wait3A_45 = arith.constant 0 : i32
      %dma_wait3A_46 = tpu.memref_slice %arg2[%dma_wait3A_44, %dma_wait3A_45] : memref<10000x128xf32, #tpu.memory_space<hbm>> -> memref<10000x128xf32, #tpu.memory_space<hbm>>
      tpu.wait_indirect_dma semaphore(%arg12 : memref<!tpu.dma_semaphore, #tpu.memory_space<semaphore_mem>>) src(%dma_wait3A_46 : memref<10000x128xf32, #tpu.memory_space<hbm>>) dst(%arg9 : memref<128x128xf32, #tpu.memory_space<vmem>>)
      %dma_start3A_47 = arith.constant 0 : i32
      %dma_start3A_48 = tpu.memref_slice %arg7[%add3A_31, %dma_start3A_47] : memref<158x128xi32, #tpu.memory_space<vmem>> -> memref<1x128xi32, #tpu.memory_space<vmem>>
      %dma_start3A_49 = tpu.memref_squeeze %dma_start3A_48 : memref<1x128xi32, #tpu.memory_space<vmem>> -> memref<128xi32, #tpu.memory_space<vmem>>
      %dma_start3A_50 = arith.constant 0 : i32
      %dma_start3A_51 = arith.constant 0 : i32
      %dma_start3A_52 = tpu.memref_slice %arg11[%dma_start3A_50, %dma_start3A_51] : memref<5008x128xf32, #tpu.memory_space<vmem_shared>> -> memref<5008x128xf32, #tpu.memory_space<vmem_shared>>
      tpu.enqueue_indirect_dma source(%arg9 : memref<128x128xf32, #tpu.memory_space<vmem>>) target(%dma_start3A_52 : memref<5008x128xf32, #tpu.memory_space<vmem_shared>>) offsets(%dma_start3A_49 : memref<128xi32, #tpu.memory_space<vmem>>) semaphore(%arg14 : memref<!tpu.dma_semaphore, #tpu.memory_space<semaphore_mem>>) {add = true}
      %add3A_53 = arith.constant 1 : i32
      %add3A_54 = arith.addi %add3A_29, %add3A_53 : i32
      %gt3A_55 = arith.constant 0 : i32
      %gt3A_56 = arith.cmpi sgt, %add3A_54, %gt3A_55 : i32
      %convert_element_type3A_57 = arith.extui %gt3A_56 : i1 to i32
      %cond3A_58 = arith.constant 0 : i32
      %cond3A_59 = arith.cmpi ne, %convert_element_type3A_57, %cond3A_58 : i32
      scf.if %cond3A_59 {
        %dma_wait3A_80 = arith.constant 0 : i32
        %dma_wait3A_81 = arith.constant 0 : i32
        %dma_wait3A_82 = tpu.memref_slice %arg7[%dma_wait3A_80, %dma_wait3A_81] : memref<158x128xi32, #tpu.memory_space<vmem>> -> memref<1x128xi32, #tpu.memory_space<vmem>>
        %dma_wait3A_83 = tpu.memref_squeeze %dma_wait3A_82 : memref<1x128xi32, #tpu.memory_space<vmem>> -> memref<128xi32, #tpu.memory_space<vmem>>
        %dma_wait3A_84 = arith.constant 0 : i32
        %dma_wait3A_85 = arith.constant 0 : i32
        %dma_wait3A_86 = tpu.memref_slice %arg11[%dma_wait3A_84, %dma_wait3A_85] : memref<5008x128xf32, #tpu.memory_space<vmem_shared>> -> memref<5008x128xf32, #tpu.memory_space<vmem_shared>>
        tpu.wait_indirect_dma semaphore(%arg14 : memref<!tpu.dma_semaphore, #tpu.memory_space<semaphore_mem>>) src(%arg9 : memref<128x128xf32, #tpu.memory_space<vmem>>) dst(%dma_wait3A_86 : memref<5008x128xf32, #tpu.memory_space<vmem_shared>>)
      } else {
      }
      %add3A_60 = arith.constant 1 : i32
      %add3A_61 = arith.addi %add3A_54, %add3A_60 : i32
      %lt3A_62 = arith.constant 158 : i32
      %lt3A_63 = arith.cmpi slt, %add3A_61, %lt3A_62 : i32
      %convert_element_type3A_64 = arith.extui %lt3A_63 : i1 to i32
      %cond3A_65 = arith.constant 0 : i32
      %cond3A_66 = arith.cmpi ne, %convert_element_type3A_64, %cond3A_65 : i32
      scf.if %cond3A_66 {
        %add3A_80 = arith.constant 1 : i32
        %add3A_81 = arith.addi %add3A_54, %add3A_80 : i32
        %dma_start3A_82 = arith.constant 0 : i32
        %dma_start3A_83 = tpu.memref_slice %arg8[%add3A_81, %dma_start3A_82] : memref<158x128xi32, #tpu.memory_space<vmem>> -> memref<1x128xi32, #tpu.memory_space<vmem>>
        %dma_start3A_84 = tpu.memref_squeeze %dma_start3A_83 : memref<1x128xi32, #tpu.memory_space<vmem>> -> memref<128xi32, #tpu.memory_space<vmem>>
        %dma_start3A_85 = arith.constant 0 : i32
        %dma_start3A_86 = arith.constant 0 : i32
        %dma_start3A_87 = tpu.memref_slice %arg2[%dma_start3A_85, %dma_start3A_86] : memref<10000x128xf32, #tpu.memory_space<hbm>> -> memref<10000x128xf32, #tpu.memory_space<hbm>>
        tpu.enqueue_indirect_dma source(%dma_start3A_87 : memref<10000x128xf32, #tpu.memory_space<hbm>>) target(%arg9 : memref<128x128xf32, #tpu.memory_space<vmem>>) offsets(%dma_start3A_84 : memref<128xi32, #tpu.memory_space<vmem>>) semaphore(%arg12 : memref<!tpu.dma_semaphore, #tpu.memory_space<semaphore_mem>>)
      } else {
      }
      %dma_wait3A_67 = arith.constant 0 : i32
      %dma_wait3A_68 = arith.constant 0 : i32
      %dma_wait3A_69 = tpu.memref_slice %arg8[%dma_wait3A_67, %dma_wait3A_68] : memref<158x128xi32, #tpu.memory_space<vmem>> -> memref<1x128xi32, #tpu.memory_space<vmem>>
      %dma_wait3A_70 = tpu.memref_squeeze %dma_wait3A_69 : memref<1x128xi32, #tpu.memory_space<vmem>> -> memref<128xi32, #tpu.memory_space<vmem>>
      %dma_wait3A_71 = arith.constant 0 : i32
      %dma_wait3A_72 = arith.constant 0 : i32
      %dma_wait3A_73 = tpu.memref_slice %arg2[%dma_wait3A_71, %dma_wait3A_72] : memref<10000x128xf32, #tpu.memory_space<hbm>> -> memref<10000x128xf32, #tpu.memory_space<hbm>>
      tpu.wait_indirect_dma semaphore(%arg13 : memref<!tpu.dma_semaphore, #tpu.memory_space<semaphore_mem>>) src(%dma_wait3A_73 : memref<10000x128xf32, #tpu.memory_space<hbm>>) dst(%arg10 : memref<128x128xf32, #tpu.memory_space<vmem>>)
      %dma_start3A_74 = arith.constant 0 : i32
      %dma_start3A_75 = tpu.memref_slice %arg7[%add3A_54, %dma_start3A_74] : memref<158x128xi32, #tpu.memory_space<vmem>> -> memref<1x128xi32, #tpu.memory_space<vmem>>
      %dma_start3A_76 = tpu.memref_squeeze %dma_start3A_75 : memref<1x128xi32, #tpu.memory_space<vmem>> -> memref<128xi32, #tpu.memory_space<vmem>>
      %dma_start3A_77 = arith.constant 0 : i32
      %dma_start3A_78 = arith.constant 0 : i32
      %dma_start3A_79 = tpu.memref_slice %arg11[%dma_start3A_77, %dma_start3A_78] : memref<5008x128xf32, #tpu.memory_space<vmem_shared>> -> memref<5008x128xf32, #tpu.memory_space<vmem_shared>>
      tpu.enqueue_indirect_dma source(%arg10 : memref<128x128xf32, #tpu.memory_space<vmem>>) target(%dma_start3A_79 : memref<5008x128xf32, #tpu.memory_space<vmem_shared>>) offsets(%dma_start3A_76 : memref<128xi32, #tpu.memory_space<vmem>>) semaphore(%arg15 : memref<!tpu.dma_semaphore, #tpu.memory_space<semaphore_mem>>) {add = true}
    }
    %scan3A_11 = arith.constant 79 : i32
    %dma_wait3A = arith.constant 0 : i32
    %dma_wait3A_12 = arith.constant 0 : i32
    %dma_wait3A_13 = tpu.memref_slice %arg7[%dma_wait3A, %dma_wait3A_12] : memref<158x128xi32, #tpu.memory_space<vmem>> -> memref<1x128xi32, #tpu.memory_space<vmem>>
    %dma_wait3A_14 = tpu.memref_squeeze %dma_wait3A_13 : memref<1x128xi32, #tpu.memory_space<vmem>> -> memref<128xi32, #tpu.memory_space<vmem>>
    %dma_wait3A_15 = arith.constant 0 : i32
    %dma_wait3A_16 = arith.constant 0 : i32
    %dma_wait3A_17 = tpu.memref_slice %arg11[%dma_wait3A_15, %dma_wait3A_16] : memref<5008x128xf32, #tpu.memory_space<vmem_shared>> -> memref<5008x128xf32, #tpu.memory_space<vmem_shared>>
    tpu.wait_indirect_dma semaphore(%arg15 : memref<!tpu.dma_semaphore, #tpu.memory_space<semaphore_mem>>) src(%arg10 : memref<128x128xf32, #tpu.memory_space<vmem>>) dst(%dma_wait3A_17 : memref<5008x128xf32, #tpu.memory_space<vmem_shared>>)
    %barrier3A_18 = arith.constant 0 : index
    tpu.barrier barrier_id(%barrier3A_18)
    %mul3A_19 = arith.constant 320 : i32
    %mul3A_20 = arith.muli %arg1, %mul3A_19 : i32
    %min3A_21 = arith.constant 4680 : i32
    %min3A_22 = arith.minsi %mul3A_20, %min3A_21 : i32
    %mul3A_23 = arith.constant 5000 : i32
    %mul3A_24 = arith.muli %arg0, %mul3A_23 : i32
    %add3A = arith.addi %mul3A_24, %min3A_22 : i32
    "tpu.region"() ({
      %run_scoped3A = tpu.sem_alloc : memref<!tpu.dma_semaphore, #tpu.memory_space<semaphore_mem>>
      %dma_start3A_25 = arith.constant 0 : i32
      %dma_start3A_26 = tpu.memref_slice %arg6[%add3A, %dma_start3A_25] : memref<10000x128xf32, #tpu.memory_space<hbm>> -> memref<320x128xf32, #tpu.memory_space<hbm>>
      %dma_start3A_27 = arith.constant 0 : i32
      %dma_start3A_28 = tpu.memref_slice %arg11[%min3A_22, %dma_start3A_27] : memref<5008x128xf32, #tpu.memory_space<vmem_shared>> -> memref<320x128xf32, #tpu.memory_space<vmem_shared>>
      tpu.enqueue_dma source(%dma_start3A_28 : memref<320x128xf32, #tpu.memory_space<vmem_shared>>) target(%dma_start3A_26 : memref<320x128xf32, #tpu.memory_space<hbm>>) target_semaphore(%run_scoped3A : memref<!tpu.dma_semaphore, #tpu.memory_space<semaphore_mem>>)
      %dma_wait3A_29 = arith.constant 0 : i32
      %dma_wait3A_30 = tpu.memref_slice %arg6[%add3A, %dma_wait3A_29] : memref<10000x128xf32, #tpu.memory_space<hbm>> -> memref<320x128xf32, #tpu.memory_space<hbm>>
      %dma_wait3A_31 = arith.constant 0 : i32
      %dma_wait3A_32 = tpu.memref_slice %arg11[%min3A_22, %dma_wait3A_31] : memref<5008x128xf32, #tpu.memory_space<vmem_shared>> -> memref<320x128xf32, #tpu.memory_space<vmem_shared>>
      tpu.wait_dma2 semaphore(%run_scoped3A : memref<!tpu.dma_semaphore, #tpu.memory_space<semaphore_mem>>) src(%dma_wait3A_32 : memref<320x128xf32, #tpu.memory_space<vmem_shared>>) dst(%dma_wait3A_30 : memref<320x128xf32, #tpu.memory_space<hbm>>)
      tpu.yield
    }) : () -> ()
    return
  }
}

#map = affine_map<(d0, d1) -> (0, 0)>
#map1 = affine_map<(d0, d1) -> (0, 0, 0, 0)>
module attributes {stable_mosaic.version = 14 : i64} {
  func.func @spmm(%arg0: i32, %arg1: i32, %arg2: memref<10000x128xf32, #tpu.memory_space<hbm>>, %arg3: memref<2x16x158x128xi32, #tpu.memory_space<hbm>>, %arg4: memref<2x16x158x128xi32, #tpu.memory_space<hbm>>, %arg5: memref<320x128xf32, #tpu.memory_space<hbm>>, %arg6: memref<10000x128xf32, #tpu.memory_space<hbm>>, %arg7: memref<158x128xi32, #tpu.memory_space<vmem>>, %arg8: memref<158x128xi32, #tpu.memory_space<vmem>>, %arg9: memref<128x128xf32, #tpu.memory_space<vmem>>, %arg10: memref<128x128xf32, #tpu.memory_space<vmem>>, %arg11: memref<5008x128xf32, #tpu.memory_space<vmem_shared>>, %arg12: memref<!tpu.dma_semaphore, #tpu.memory_space<semaphore_mem>>, %arg13: memref<!tpu.dma_semaphore, #tpu.memory_space<semaphore_mem>>, %arg14: memref<!tpu.dma_semaphore, #tpu.memory_space<semaphore_mem>>, %arg15: memref<!tpu.dma_semaphore, #tpu.memory_space<semaphore_mem>>) attributes {dimension_semantics = [#tpu.dimension_semantics<core_parallel>, #tpu.dimension_semantics<subcore_parallel>], iteration_bounds = array<i64: 2, 16>, scalar_prefetch = 0 : i64, scratch_operands = 9 : i64, tpu.core_type = #tpu.core_type<sc_vector_subcore>, window_params = [{transform_indices = #map}, {transform_indices = #map1}, {transform_indices = #map1}, {transform_indices = #map}, {transform_indices = #map}]} {
    %mul3A = arith.constant 320 : i32
    %mul3A_0 = arith.muli %arg1, %mul3A : i32
    %min3A = arith.constant 4688 : i32
    %min3A_1 = arith.minsi %mul3A_0, %min3A : i32
    "tpu.region"() ({
      %run_scoped3A = tpu.sem_alloc : memref<!tpu.dma_semaphore, #tpu.memory_space<semaphore_mem>>
      %dma_start3A_25 = arith.constant 0 : i32
      %dma_start3A_26 = tpu.memref_slice %arg11[%min3A_1, %dma_start3A_25] : memref<5008x128xf32, #tpu.memory_space<vmem_shared>> -> memref<320x128xf32, #tpu.memory_space<vmem_shared>>
      tpu.enqueue_dma source(%arg5 : memref<320x128xf32, #tpu.memory_space<hbm>>) target(%dma_start3A_26 : memref<320x128xf32, #tpu.memory_space<vmem_shared>>) target_semaphore(%run_scoped3A : memref<!tpu.dma_semaphore, #tpu.memory_space<semaphore_mem>>)
      %dma_wait3A_27 = arith.constant 0 : i32
      %dma_wait3A_28 = tpu.memref_slice %arg11[%min3A_1, %dma_wait3A_27] : memref<5008x128xf32, #tpu.memory_space<vmem_shared>> -> memref<320x128xf32, #tpu.memory_space<vmem_shared>>
      tpu.wait_dma2 semaphore(%run_scoped3A : memref<!tpu.dma_semaphore, #tpu.memory_space<semaphore_mem>>) src(%arg5 : memref<320x128xf32, #tpu.memory_space<hbm>>) dst(%dma_wait3A_28 : memref<320x128xf32, #tpu.memory_space<vmem_shared>>)
      tpu.yield
    }) : () -> ()
    "tpu.region"() ({
      %run_scoped3A = tpu.sem_alloc : memref<!tpu.dma_semaphore, #tpu.memory_space<semaphore_mem>>
      %dma_start3A_25 = arith.constant 0 : i32
      %dma_start3A_26 = arith.constant 0 : i32
      %dma_start3A_27 = tpu.memref_slice %arg3[%arg0, %arg1, %dma_start3A_25, %dma_start3A_26] : memref<2x16x158x128xi32, #tpu.memory_space<hbm>> -> memref<1x1x158x128xi32, #tpu.memory_space<hbm>>
      %dma_start3A_28 = tpu.memref_squeeze %dma_start3A_27 : memref<1x1x158x128xi32, #tpu.memory_space<hbm>> -> memref<158x128xi32, #tpu.memory_space<hbm>>
      %dma_start3A_29 = arith.constant 0 : i32
      %dma_start3A_30 = arith.constant 0 : i32
      %dma_start3A_31 = tpu.memref_slice %arg3[%arg0, %arg1, %dma_start3A_29, %dma_start3A_30] : memref<2x16x158x128xi32, #tpu.memory_space<hbm>> -> memref<1x1x158x128xi32, #tpu.memory_space<hbm>>
      %dma_start3A_32 = tpu.memref_squeeze %dma_start3A_31 : memref<1x1x158x128xi32, #tpu.memory_space<hbm>> -> memref<158x128xi32, #tpu.memory_space<hbm>>
      tpu.enqueue_dma source(%dma_start3A_32 : memref<158x128xi32, #tpu.memory_space<hbm>>) target(%arg7 : memref<158x128xi32, #tpu.memory_space<vmem>>) target_semaphore(%run_scoped3A : memref<!tpu.dma_semaphore, #tpu.memory_space<semaphore_mem>>)
      %dma_wait3A_33 = arith.constant 0 : i32
      %dma_wait3A_34 = arith.constant 0 : i32
      %dma_wait3A_35 = tpu.memref_slice %arg3[%arg0, %arg1, %dma_wait3A_33, %dma_wait3A_34] : memref<2x16x158x128xi32, #tpu.memory_space<hbm>> -> memref<1x1x158x128xi32, #tpu.memory_space<hbm>>
      %dma_wait3A_36 = tpu.memref_squeeze %dma_wait3A_35 : memref<1x1x158x128xi32, #tpu.memory_space<hbm>> -> memref<158x128xi32, #tpu.memory_space<hbm>>
      %dma_wait3A_37 = arith.constant 0 : i32
      %dma_wait3A_38 = arith.constant 0 : i32
      %dma_wait3A_39 = tpu.memref_slice %arg3[%arg0, %arg1, %dma_wait3A_37, %dma_wait3A_38] : memref<2x16x158x128xi32, #tpu.memory_space<hbm>> -> memref<1x1x158x128xi32, #tpu.memory_space<hbm>>
      %dma_wait3A_40 = tpu.memref_squeeze %dma_wait3A_39 : memref<1x1x158x128xi32, #tpu.memory_space<hbm>> -> memref<158x128xi32, #tpu.memory_space<hbm>>
      tpu.wait_dma2 semaphore(%run_scoped3A : memref<!tpu.dma_semaphore, #tpu.memory_space<semaphore_mem>>) src(%dma_wait3A_40 : memref<158x128xi32, #tpu.memory_space<hbm>>) dst(%arg7 : memref<158x128xi32, #tpu.memory_space<vmem>>)
      tpu.yield
    }) : () -> ()
    "tpu.region"() ({
      %run_scoped3A = tpu.sem_alloc : memref<!tpu.dma_semaphore, #tpu.memory_space<semaphore_mem>>
      %dma_start3A_25 = arith.constant 0 : i32
      %dma_start3A_26 = arith.constant 0 : i32
      %dma_start3A_27 = tpu.memref_slice %arg4[%arg0, %arg1, %dma_start3A_25, %dma_start3A_26] : memref<2x16x158x128xi32, #tpu.memory_space<hbm>> -> memref<1x1x158x128xi32, #tpu.memory_space<hbm>>
      %dma_start3A_28 = tpu.memref_squeeze %dma_start3A_27 : memref<1x1x158x128xi32, #tpu.memory_space<hbm>> -> memref<158x128xi32, #tpu.memory_space<hbm>>
      %dma_start3A_29 = arith.constant 0 : i32
      %dma_start3A_30 = arith.constant 0 : i32
      %dma_start3A_31 = tpu.memref_slice %arg4[%arg0, %arg1, %dma_start3A_29, %dma_start3A_30] : memref<2x16x158x128xi32, #tpu.memory_space<hbm>> -> memref<1x1x158x128xi32, #tpu.memory_space<hbm>>
      %dma_start3A_32 = tpu.memref_squeeze %dma_start3A_31 : memref<1x1x158x128xi32, #tpu.memory_space<hbm>> -> memref<158x128xi32, #tpu.memory_space<hbm>>
      tpu.enqueue_dma source(%dma_start3A_32 : memref<158x128xi32, #tpu.memory_space<hbm>>) target(%arg8 : memref<158x128xi32, #tpu.memory_space<vmem>>) target_semaphore(%run_scoped3A : memref<!tpu.dma_semaphore, #tpu.memory_space<semaphore_mem>>)
      %dma_wait3A_33 = arith.constant 0 : i32
      %dma_wait3A_34 = arith.constant 0 : i32
      %dma_wait3A_35 = tpu.memref_slice %arg4[%arg0, %arg1, %dma_wait3A_33, %dma_wait3A_34] : memref<2x16x158x128xi32, #tpu.memory_space<hbm>> -> memref<1x1x158x128xi32, #tpu.memory_space<hbm>>
      %dma_wait3A_36 = tpu.memref_squeeze %dma_wait3A_35 : memref<1x1x158x128xi32, #tpu.memory_space<hbm>> -> memref<158x128xi32, #tpu.memory_space<hbm>>
      %dma_wait3A_37 = arith.constant 0 : i32
      %dma_wait3A_38 = arith.constant 0 : i32
      %dma_wait3A_39 = tpu.memref_slice %arg4[%arg0, %arg1, %dma_wait3A_37, %dma_wait3A_38] : memref<2x16x158x128xi32, #tpu.memory_space<hbm>> -> memref<1x1x158x128xi32, #tpu.memory_space<hbm>>
      %dma_wait3A_40 = tpu.memref_squeeze %dma_wait3A_39 : memref<1x1x158x128xi32, #tpu.memory_space<hbm>> -> memref<158x128xi32, #tpu.memory_space<hbm>>
      tpu.wait_dma2 semaphore(%run_scoped3A : memref<!tpu.dma_semaphore, #tpu.memory_space<semaphore_mem>>) src(%dma_wait3A_40 : memref<158x128xi32, #tpu.memory_space<hbm>>) dst(%arg8 : memref<158x128xi32, #tpu.memory_space<vmem>>)
      tpu.yield
    }) : () -> ()
    %dma_start3A = arith.constant 0 : i32
    %dma_start3A_2 = arith.constant 0 : i32
    %dma_start3A_3 = tpu.memref_slice %arg8[%dma_start3A, %dma_start3A_2] : memref<158x128xi32, #tpu.memory_space<vmem>> -> memref<1x128xi32, #tpu.memory_space<vmem>>
    %dma_start3A_4 = tpu.memref_squeeze %dma_start3A_3 : memref<1x128xi32, #tpu.memory_space<vmem>> -> memref<128xi32, #tpu.memory_space<vmem>>
    %dma_start3A_5 = arith.constant 0 : i32
    %dma_start3A_6 = arith.constant 0 : i32
    %dma_start3A_7 = tpu.memref_slice %arg2[%dma_start3A_5, %dma_start3A_6] : memref<10000x128xf32, #tpu.memory_space<hbm>> -> memref<10000x128xf32, #tpu.memory_space<hbm>>
    tpu.enqueue_indirect_dma source(%dma_start3A_7 : memref<10000x128xf32, #tpu.memory_space<hbm>>) target(%arg9 : memref<128x128xf32, #tpu.memory_space<vmem>>) offsets(%dma_start3A_4 : memref<128xi32, #tpu.memory_space<vmem>>) semaphore(%arg12 : memref<!tpu.dma_semaphore, #tpu.memory_space<semaphore_mem>>)
    %barrier3A = arith.constant 0 : index
    tpu.barrier barrier_id(%barrier3A)
    %scan3A = arith.constant 0 : i32
    %scan3A_8 = arith.constant 79 : i32
    %scan3A_9 = arith.addi %scan3A, %scan3A_8 : i32
    %scan3A_10 = arith.constant 1 : i32
    scf.for %scan3A_25 = %scan3A to %scan3A_9 step %scan3A_10  : i32 {
      %mul3A_26 = arith.constant 2 : i32
      %mul3A_27 = arith.muli %scan3A_25, %mul3A_26 : i32
      %add3A_28 = arith.constant 0 : i32
      %add3A_29 = arith.addi %add3A_28, %mul3A_27 : i32
      %add3A_30 = arith.constant 0 : i32
      %add3A_31 = arith.addi %add3A_29, %add3A_30 : i32
      %gt3A = arith.constant 0 : i32
      %gt3A_32 = arith.cmpi sgt, %add3A_31, %gt3A : i32
      %convert_element_type3A = arith.extui %gt3A_32 : i1 to i32
      %cond3A = arith.constant 0 : i32
      %cond3A_33 = arith.cmpi ne, %convert_element_type3A, %cond3A : i32
      scf.if %cond3A_33 {
        %dma_wait3A_80 = arith.constant 0 : i32
        %dma_wait3A_81 = arith.constant 0 : i32
        %dma_wait3A_82 = tpu.memref_slice %arg7[%dma_wait3A_80, %dma_wait3A_81] : memref<158x128xi32, #tpu.memory_space<vmem>> -> memref<1x128xi32, #tpu.memory_space<vmem>>
        %dma_wait3A_83 = tpu.memref_squeeze %dma_wait3A_82 : memref<1x128xi32, #tpu.memory_space<vmem>> -> memref<128xi32, #tpu.memory_space<vmem>>
        %dma_wait3A_84 = arith.constant 0 : i32
        %dma_wait3A_85 = arith.constant 0 : i32
        %dma_wait3A_86 = tpu.memref_slice %arg11[%dma_wait3A_84, %dma_wait3A_85] : memref<5008x128xf32, #tpu.memory_space<vmem_shared>> -> memref<5008x128xf32, #tpu.memory_space<vmem_shared>>
        tpu.wait_indirect_dma semaphore(%arg15 : memref<!tpu.dma_semaphore, #tpu.memory_space<semaphore_mem>>) src(%arg10 : memref<128x128xf32, #tpu.memory_space<vmem>>) dst(%dma_wait3A_86 : memref<5008x128xf32, #tpu.memory_space<vmem_shared>>)
      } else {
      }
      %add3A_34 = arith.constant 1 : i32
      %add3A_35 = arith.addi %add3A_31, %add3A_34 : i32
      %lt3A = arith.constant 158 : i32
      %lt3A_36 = arith.cmpi slt, %add3A_35, %lt3A : i32
      %convert_element_type3A_37 = arith.extui %lt3A_36 : i1 to i32
      %cond3A_38 = arith.constant 0 : i32
      %cond3A_39 = arith.cmpi ne, %convert_element_type3A_37, %cond3A_38 : i32
      scf.if %cond3A_39 {
        %add3A_80 = arith.constant 1 : i32
        %add3A_81 = arith.addi %add3A_31, %add3A_80 : i32
        %dma_start3A_82 = arith.constant 0 : i32
        %dma_start3A_83 = tpu.memref_slice %arg8[%add3A_81, %dma_start3A_82] : memref<158x128xi32, #tpu.memory_space<vmem>> -> memref<1x128xi32, #tpu.memory_space<vmem>>
        %dma_start3A_84 = tpu.memref_squeeze %dma_start3A_83 : memref<1x128xi32, #tpu.memory_space<vmem>> -> memref<128xi32, #tpu.memory_space<vmem>>
        %dma_start3A_85 = arith.constant 0 : i32
        %dma_start3A_86 = arith.constant 0 : i32
        %dma_start3A_87 = tpu.memref_slice %arg2[%dma_start3A_85, %dma_start3A_86] : memref<10000x128xf32, #tpu.memory_space<hbm>> -> memref<10000x128xf32, #tpu.memory_space<hbm>>
        tpu.enqueue_indirect_dma source(%dma_start3A_87 : memref<10000x128xf32, #tpu.memory_space<hbm>>) target(%arg10 : memref<128x128xf32, #tpu.memory_space<vmem>>) offsets(%dma_start3A_84 : memref<128xi32, #tpu.memory_space<vmem>>) semaphore(%arg13 : memref<!tpu.dma_semaphore, #tpu.memory_space<semaphore_mem>>)
      } else {
      }
      %dma_wait3A_40 = arith.constant 0 : i32
      %dma_wait3A_41 = arith.constant 0 : i32
      %dma_wait3A_42 = tpu.memref_slice %arg8[%dma_wait3A_40, %dma_wait3A_41] : memref<158x128xi32, #tpu.memory_space<vmem>> -> memref<1x128xi32, #tpu.memory_space<vmem>>
      %dma_wait3A_43 = tpu.memref_squeeze %dma_wait3A_42 : memref<1x128xi32, #tpu.memory_space<vmem>> -> memref<128xi32, #tpu.memory_space<vmem>>
      %dma_wait3A_44 = arith.constant 0 : i32
      %dma_wait3A_45 = arith.constant 0 : i32
      %dma_wait3A_46 = tpu.memref_slice %arg2[%dma_wait3A_44, %dma_wait3A_45] : memref<10000x128xf32, #tpu.memory_space<hbm>> -> memref<10000x128xf32, #tpu.memory_space<hbm>>
      tpu.wait_indirect_dma semaphore(%arg12 : memref<!tpu.dma_semaphore, #tpu.memory_space<semaphore_mem>>) src(%dma_wait3A_46 : memref<10000x128xf32, #tpu.memory_space<hbm>>) dst(%arg9 : memref<128x128xf32, #tpu.memory_space<vmem>>)
      %dma_start3A_47 = arith.constant 0 : i32
      %dma_start3A_48 = tpu.memref_slice %arg7[%add3A_31, %dma_start3A_47] : memref<158x128xi32, #tpu.memory_space<vmem>> -> memref<1x128xi32, #tpu.memory_space<vmem>>
      %dma_start3A_49 = tpu.memref_squeeze %dma_start3A_48 : memref<1x128xi32, #tpu.memory_space<vmem>> -> memref<128xi32, #tpu.memory_space<vmem>>
      %dma_start3A_50 = arith.constant 0 : i32
      %dma_start3A_51 = arith.constant 0 : i32
      %dma_start3A_52 = tpu.memref_slice %arg11[%dma_start3A_50, %dma_start3A_51] : memref<5008x128xf32, #tpu.memory_space<vmem_shared>> -> memref<5008x128xf32, #tpu.memory_space<vmem_shared>>
      tpu.enqueue_indirect_dma source(%arg9 : memref<128x128xf32, #tpu.memory_space<vmem>>) target(%dma_start3A_52 : memref<5008x128xf32, #tpu.memory_space<vmem_shared>>) offsets(%dma_start3A_49 : memref<128xi32, #tpu.memory_space<vmem>>) semaphore(%arg14 : memref<!tpu.dma_semaphore, #tpu.memory_space<semaphore_mem>>) {add = true}
      %add3A_53 = arith.constant 1 : i32
      %add3A_54 = arith.addi %add3A_29, %add3A_53 : i32
      %gt3A_55 = arith.constant 0 : i32
      %gt3A_56 = arith.cmpi sgt, %add3A_54, %gt3A_55 : i32
      %convert_element_type3A_57 = arith.extui %gt3A_56 : i1 to i32
      %cond3A_58 = arith.constant 0 : i32
      %cond3A_59 = arith.cmpi ne, %convert_element_type3A_57, %cond3A_58 : i32
      scf.if %cond3A_59 {
        %dma_wait3A_80 = arith.constant 0 : i32
        %dma_wait3A_81 = arith.constant 0 : i32
        %dma_wait3A_82 = tpu.memref_slice %arg7[%dma_wait3A_80, %dma_wait3A_81] : memref<158x128xi32, #tpu.memory_space<vmem>> -> memref<1x128xi32, #tpu.memory_space<vmem>>
        %dma_wait3A_83 = tpu.memref_squeeze %dma_wait3A_82 : memref<1x128xi32, #tpu.memory_space<vmem>> -> memref<128xi32, #tpu.memory_space<vmem>>
        %dma_wait3A_84 = arith.constant 0 : i32
        %dma_wait3A_85 = arith.constant 0 : i32
        %dma_wait3A_86 = tpu.memref_slice %arg11[%dma_wait3A_84, %dma_wait3A_85] : memref<5008x128xf32, #tpu.memory_space<vmem_shared>> -> memref<5008x128xf32, #tpu.memory_space<vmem_shared>>
        tpu.wait_indirect_dma semaphore(%arg14 : memref<!tpu.dma_semaphore, #tpu.memory_space<semaphore_mem>>) src(%arg9 : memref<128x128xf32, #tpu.memory_space<vmem>>) dst(%dma_wait3A_86 : memref<5008x128xf32, #tpu.memory_space<vmem_shared>>)
      } else {
      }
      %add3A_60 = arith.constant 1 : i32
      %add3A_61 = arith.addi %add3A_54, %add3A_60 : i32
      %lt3A_62 = arith.constant 158 : i32
      %lt3A_63 = arith.cmpi slt, %add3A_61, %lt3A_62 : i32
      %convert_element_type3A_64 = arith.extui %lt3A_63 : i1 to i32
      %cond3A_65 = arith.constant 0 : i32
      %cond3A_66 = arith.cmpi ne, %convert_element_type3A_64, %cond3A_65 : i32
      scf.if %cond3A_66 {
        %add3A_80 = arith.constant 1 : i32
        %add3A_81 = arith.addi %add3A_54, %add3A_80 : i32
        %dma_start3A_82 = arith.constant 0 : i32
        %dma_start3A_83 = tpu.memref_slice %arg8[%add3A_81, %dma_start3A_82] : memref<158x128xi32, #tpu.memory_space<vmem>> -> memref<1x128xi32, #tpu.memory_space<vmem>>
        %dma_start3A_84 = tpu.memref_squeeze %dma_start3A_83 : memref<1x128xi32, #tpu.memory_space<vmem>> -> memref<128xi32, #tpu.memory_space<vmem>>
        %dma_start3A_85 = arith.constant 0 : i32
        %dma_start3A_86 = arith.constant 0 : i32
        %dma_start3A_87 = tpu.memref_slice %arg2[%dma_start3A_85, %dma_start3A_86] : memref<10000x128xf32, #tpu.memory_space<hbm>> -> memref<10000x128xf32, #tpu.memory_space<hbm>>
        tpu.enqueue_indirect_dma source(%dma_start3A_87 : memref<10000x128xf32, #tpu.memory_space<hbm>>) target(%arg9 : memref<128x128xf32, #tpu.memory_space<vmem>>) offsets(%dma_start3A_84 : memref<128xi32, #tpu.memory_space<vmem>>) semaphore(%arg12 : memref<!tpu.dma_semaphore, #tpu.memory_space<semaphore_mem>>)
      } else {
      }
      %dma_wait3A_67 = arith.constant 0 : i32
      %dma_wait3A_68 = arith.constant 0 : i32
      %dma_wait3A_69 = tpu.memref_slice %arg8[%dma_wait3A_67, %dma_wait3A_68] : memref<158x128xi32, #tpu.memory_space<vmem>> -> memref<1x128xi32, #tpu.memory_space<vmem>>
      %dma_wait3A_70 = tpu.memref_squeeze %dma_wait3A_69 : memref<1x128xi32, #tpu.memory_space<vmem>> -> memref<128xi32, #tpu.memory_space<vmem>>
      %dma_wait3A_71 = arith.constant 0 : i32
      %dma_wait3A_72 = arith.constant 0 : i32
      %dma_wait3A_73 = tpu.memref_slice %arg2[%dma_wait3A_71, %dma_wait3A_72] : memref<10000x128xf32, #tpu.memory_space<hbm>> -> memref<10000x128xf32, #tpu.memory_space<hbm>>
      tpu.wait_indirect_dma semaphore(%arg13 : memref<!tpu.dma_semaphore, #tpu.memory_space<semaphore_mem>>) src(%dma_wait3A_73 : memref<10000x128xf32, #tpu.memory_space<hbm>>) dst(%arg10 : memref<128x128xf32, #tpu.memory_space<vmem>>)
      %dma_start3A_74 = arith.constant 0 : i32
      %dma_start3A_75 = tpu.memref_slice %arg7[%add3A_54, %dma_start3A_74] : memref<158x128xi32, #tpu.memory_space<vmem>> -> memref<1x128xi32, #tpu.memory_space<vmem>>
      %dma_start3A_76 = tpu.memref_squeeze %dma_start3A_75 : memref<1x128xi32, #tpu.memory_space<vmem>> -> memref<128xi32, #tpu.memory_space<vmem>>
      %dma_start3A_77 = arith.constant 0 : i32
      %dma_start3A_78 = arith.constant 0 : i32
      %dma_start3A_79 = tpu.memref_slice %arg11[%dma_start3A_77, %dma_start3A_78] : memref<5008x128xf32, #tpu.memory_space<vmem_shared>> -> memref<5008x128xf32, #tpu.memory_space<vmem_shared>>
      tpu.enqueue_indirect_dma source(%arg10 : memref<128x128xf32, #tpu.memory_space<vmem>>) target(%dma_start3A_79 : memref<5008x128xf32, #tpu.memory_space<vmem_shared>>) offsets(%dma_start3A_76 : memref<128xi32, #tpu.memory_space<vmem>>) semaphore(%arg15 : memref<!tpu.dma_semaphore, #tpu.memory_space<semaphore_mem>>) {add = true}
    }
    %scan3A_11 = arith.constant 79 : i32
    %dma_wait3A = arith.constant 0 : i32
    %dma_wait3A_12 = arith.constant 0 : i32
    %dma_wait3A_13 = tpu.memref_slice %arg7[%dma_wait3A, %dma_wait3A_12] : memref<158x128xi32, #tpu.memory_space<vmem>> -> memref<1x128xi32, #tpu.memory_space<vmem>>
    %dma_wait3A_14 = tpu.memref_squeeze %dma_wait3A_13 : memref<1x128xi32, #tpu.memory_space<vmem>> -> memref<128xi32, #tpu.memory_space<vmem>>
    %dma_wait3A_15 = arith.constant 0 : i32
    %dma_wait3A_16 = arith.constant 0 : i32
    %dma_wait3A_17 = tpu.memref_slice %arg11[%dma_wait3A_15, %dma_wait3A_16] : memref<5008x128xf32, #tpu.memory_space<vmem_shared>> -> memref<5008x128xf32, #tpu.memory_space<vmem_shared>>
    tpu.wait_indirect_dma semaphore(%arg15 : memref<!tpu.dma_semaphore, #tpu.memory_space<semaphore_mem>>) src(%arg10 : memref<128x128xf32, #tpu.memory_space<vmem>>) dst(%dma_wait3A_17 : memref<5008x128xf32, #tpu.memory_space<vmem_shared>>)
    %barrier3A_18 = arith.constant 0 : index
    tpu.barrier barrier_id(%barrier3A_18)
    %mul3A_19 = arith.constant 320 : i32
    %mul3A_20 = arith.muli %arg1, %mul3A_19 : i32
    %min3A_21 = arith.constant 4680 : i32
    %min3A_22 = arith.minsi %mul3A_20, %min3A_21 : i32
    %mul3A_23 = arith.constant 5000 : i32
    %mul3A_24 = arith.muli %arg0, %mul3A_23 : i32
    %add3A = arith.addi %mul3A_24, %min3A_22 : i32
    "tpu.region"() ({
      %run_scoped3A = tpu.sem_alloc : memref<!tpu.dma_semaphore, #tpu.memory_space<semaphore_mem>>
      %dma_start3A_25 = arith.constant 0 : i32
      %dma_start3A_26 = tpu.memref_slice %arg6[%add3A, %dma_start3A_25] : memref<10000x128xf32, #tpu.memory_space<hbm>> -> memref<320x128xf32, #tpu.memory_space<hbm>>
      %dma_start3A_27 = arith.constant 0 : i32
      %dma_start3A_28 = tpu.memref_slice %arg11[%min3A_22, %dma_start3A_27] : memref<5008x128xf32, #tpu.memory_space<vmem_shared>> -> memref<320x128xf32, #tpu.memory_space<vmem_shared>>
      tpu.enqueue_dma source(%dma_start3A_28 : memref<320x128xf32, #tpu.memory_space<vmem_shared>>) target(%dma_start3A_26 : memref<320x128xf32, #tpu.memory_space<hbm>>) target_semaphore(%run_scoped3A : memref<!tpu.dma_semaphore, #tpu.memory_space<semaphore_mem>>)
      %dma_wait3A_29 = arith.constant 0 : i32
      %dma_wait3A_30 = tpu.memref_slice %arg6[%add3A, %dma_wait3A_29] : memref<10000x128xf32, #tpu.memory_space<hbm>> -> memref<320x128xf32, #tpu.memory_space<hbm>>
      %dma_wait3A_31 = arith.constant 0 : i32
      %dma_wait3A_32 = tpu.memref_slice %arg11[%min3A_22, %dma_wait3A_31] : memref<5008x128xf32, #tpu.memory_space<vmem_shared>> -> memref<320x128xf32, #tpu.memory_space<vmem_shared>>
      tpu.wait_dma2 semaphore(%run_scoped3A : memref<!tpu.dma_semaphore, #tpu.memory_space<semaphore_mem>>) src(%dma_wait3A_32 : memref<320x128xf32, #tpu.memory_space<vmem_shared>>) dst(%dma_wait3A_30 : memref<320x128xf32, #tpu.memory_space<hbm>>)
      tpu.yield
    }) : () -> ()
    return
  }
}

module attributes {stable_mosaic.version = 14 : i64} {
  func.func @_scale_body(%arg0: memref<10000x128xf32, #tpu.memory_space<vmem>>, %arg1: memref<5000x128xf32, #tpu.memory_space<vmem>>, %arg2: memref<5000x128xf32, #tpu.memory_space<vmem>>, %arg3: memref<10000x16xf32, #tpu.memory_space<vmem>>, %arg4: memref<10000x128xf32, #tpu.memory_space<vmem>>) attributes {dimension_semantics = [], scalar_prefetch = 0 : i64, scratch_operands = 0 : i64, tpu.core_type = #tpu.core_type<tc>} {
    %get3A = arith.constant 0 : index
    %get3A_0 = arith.constant 0 : index
    %get3A_1 = vector.load %arg0[%get3A, %get3A_0] : memref<10000x128xf32, #tpu.memory_space<vmem>>, vector<10000x128xf32>
    %slice3A = vector.extract_strided_slice %get3A_1 {offsets = [0, 0], sizes = [10000, 16], strides = [1, 1]} : vector<10000x128xf32> to vector<10000x16xf32>
    %add3A = arith.constant 1.000000e-07 : f32
    %add3A_2 = vector.broadcast %add3A : f32 to vector<10000x16xf32>
    %add3A_3 = arith.addf %slice3A, %add3A_2 : vector<10000x16xf32>
    %rsqrt3A = math.rsqrt %add3A_3 : vector<10000x16xf32>
    %swap3A = arith.constant 0 : index
    %swap3A_4 = arith.constant 0 : index
    %swap3A_5 = vector.load %arg3[%swap3A, %swap3A_4] : memref<10000x16xf32, #tpu.memory_space<vmem>>, vector<10000x16xf32>
    tpu.vector_store %arg3[%swap3A, %swap3A_4], %rsqrt3A {strides = array<i32>} : memref<10000x16xf32, #tpu.memory_space<vmem>>, vector<10000x16xf32>,
    %get3A_6 = arith.constant 0 : index
    %get3A_7 = arith.constant 0 : index
    %get3A_8 = vector.load %arg1[%get3A_6, %get3A_7] : memref<5000x128xf32, #tpu.memory_space<vmem>>, vector<5000x128xf32>
    %slice3A_9 = vector.extract_strided_slice %rsqrt3A {offsets = [0, 0], sizes = [5000, 1], strides = [1, 1]} : vector<10000x16xf32> to vector<5000x1xf32>
    %mul3A = vector.broadcast %slice3A_9 : vector<5000x1xf32> to vector<5000x128xf32>
    %mul3A_10 = arith.mulf %get3A_8, %mul3A : vector<5000x128xf32>
    %swap3A_11 = arith.constant 0 : index
    %swap3A_12 = arith.constant 0 : index
    %swap3A_13 = vector.load %arg4[%swap3A_11, %swap3A_12] : memref<10000x128xf32, #tpu.memory_space<vmem>>, vector<5000x128xf32>
    tpu.vector_store %arg4[%swap3A_11, %swap3A_12], %mul3A_10 {strides = array<i32>} : memref<10000x128xf32, #tpu.memory_space<vmem>>, vector<5000x128xf32>,
    %get3A_14 = arith.constant 0 : index
    %get3A_15 = arith.constant 0 : index
    %get3A_16 = vector.load %arg2[%get3A_14, %get3A_15] : memref<5000x128xf32, #tpu.memory_space<vmem>>, vector<5000x128xf32>
    %slice3A_17 = vector.extract_strided_slice %rsqrt3A {offsets = [5000, 0], sizes = [5000, 1], strides = [1, 1]} : vector<10000x16xf32> to vector<5000x1xf32>
    %mul3A_18 = vector.broadcast %slice3A_17 : vector<5000x1xf32> to vector<5000x128xf32>
    %mul3A_19 = arith.mulf %get3A_16, %mul3A_18 : vector<5000x128xf32>
    %swap3A_20 = arith.constant 5000 : index
    %swap3A_21 = arith.constant 0 : index
    %swap3A_22 = vector.load %arg4[%swap3A_20, %swap3A_21] : memref<10000x128xf32, #tpu.memory_space<vmem>>, vector<5000x128xf32>
    tpu.vector_store %arg4[%swap3A_20, %swap3A_21], %mul3A_19 {strides = array<i32>} : memref<10000x128xf32, #tpu.memory_space<vmem>>, vector<5000x128xf32>,
    return
  }
}

module attributes {stable_mosaic.version = 14 : i64} {
  func.func @_hgnn_body(%arg0: memref<5000x128xf32, #tpu.memory_space<vmem>>, %arg1: memref<5000x128xf32, #tpu.memory_space<vmem>>, %arg2: memref<5000x128xf32, #tpu.memory_space<vmem>>, %arg3: memref<5000x128xf32, #tpu.memory_space<vmem>>, %arg4: memref<10000x128xf32, #tpu.memory_space<vmem>>) attributes {dimension_semantics = [], scalar_prefetch = 0 : i64, scratch_operands = 0 : i64, tpu.core_type = #tpu.core_type<tc>} {
    %get3A = arith.constant 0 : index
    %get3A_0 = arith.constant 0 : index
    %get3A_1 = vector.load %arg0[%get3A, %get3A_0] : memref<5000x128xf32, #tpu.memory_space<vmem>>, vector<5000x128xf32>
    %get3A_2 = arith.constant 0 : index
    %get3A_3 = arith.constant 0 : index
    %get3A_4 = vector.load %arg1[%get3A_2, %get3A_3] : memref<5000x128xf32, #tpu.memory_space<vmem>>, vector<5000x128xf32>
    %get3A_5 = arith.constant 0 : index
    %get3A_6 = arith.constant 0 : index
    %get3A_7 = vector.load %arg2[%get3A_5, %get3A_6] : memref<5000x128xf32, #tpu.memory_space<vmem>>, vector<5000x128xf32>
    %dot_general3A = arith.constant dense<0.000000e+00> : vector<128x128xf32>
    %dot_general3A_8 = tpu.matmul %get3A_1, %get3A_7, %dot_general3A {dimension_numbers = #tpu.dot_dimension_numbers<[0], [0], [1], [1], [0, 1, 1, 1], [], []>, transpose_lhs_hint = false} : vector<5000x128xf32>, vector<5000x128xf32>, vector<128x128xf32> -> vector<128x128xf32>
    %dot_general3A_9 = arith.constant dense<0.000000e+00> : vector<5000x128xf32>
    %dot_general3A_10 = tpu.matmul %get3A_1, %dot_general3A_8, %dot_general3A_9 {dimension_numbers = #tpu.dot_dimension_numbers<[1], [0], [0], [1], [0, 0, 1, 1], [], []>, transpose_lhs_hint = false} : vector<5000x128xf32>, vector<128x128xf32>, vector<5000x128xf32> -> vector<5000x128xf32>
    %swap3A = arith.constant 0 : index
    %swap3A_11 = arith.constant 0 : index
    %swap3A_12 = vector.load %arg4[%swap3A, %swap3A_11] : memref<10000x128xf32, #tpu.memory_space<vmem>>, vector<5000x128xf32>
    tpu.vector_store %arg4[%swap3A, %swap3A_11], %dot_general3A_10 {strides = array<i32>} : memref<10000x128xf32, #tpu.memory_space<vmem>>, vector<5000x128xf32>,
    %get3A_13 = arith.constant 0 : index
    %get3A_14 = arith.constant 0 : index
    %get3A_15 = vector.load %arg3[%get3A_13, %get3A_14] : memref<5000x128xf32, #tpu.memory_space<vmem>>, vector<5000x128xf32>
    %dot_general3A_16 = arith.constant dense<0.000000e+00> : vector<128x128xf32>
    %dot_general3A_17 = tpu.matmul %get3A_4, %get3A_15, %dot_general3A_16 {dimension_numbers = #tpu.dot_dimension_numbers<[0], [0], [1], [1], [0, 1, 1, 1], [], []>, transpose_lhs_hint = false} : vector<5000x128xf32>, vector<5000x128xf32>, vector<128x128xf32> -> vector<128x128xf32>
    %dot_general3A_18 = arith.constant dense<0.000000e+00> : vector<5000x128xf32>
    %dot_general3A_19 = tpu.matmul %get3A_4, %dot_general3A_17, %dot_general3A_18 {dimension_numbers = #tpu.dot_dimension_numbers<[1], [0], [0], [1], [0, 0, 1, 1], [], []>, transpose_lhs_hint = false} : vector<5000x128xf32>, vector<128x128xf32>, vector<5000x128xf32> -> vector<5000x128xf32>
    %swap3A_20 = arith.constant 5000 : index
    %swap3A_21 = arith.constant 0 : index
    %swap3A_22 = vector.load %arg4[%swap3A_20, %swap3A_21] : memref<10000x128xf32, #tpu.memory_space<vmem>>, vector<5000x128xf32>
    tpu.vector_store %arg4[%swap3A_20, %swap3A_21], %dot_general3A_19 {strides = array<i32>} : memref<10000x128xf32, #tpu.memory_space<vmem>>, vector<5000x128xf32>,
    return
  }
}

module attributes {stable_mosaic.version = 14 : i64} {
  func.func @_mid_body(%arg0: memref<10000x128xf32, #tpu.memory_space<vmem>>, %arg1: memref<10000x128xf32, #tpu.memory_space<vmem>>, %arg2: memref<10000x16xf32, #tpu.memory_space<vmem>>, %arg3: memref<10000x128xf32, #tpu.memory_space<vmem>>, %arg4: memref<10000x128xf32, #tpu.memory_space<vmem>>, %arg5: memref<10000x128xf32, #tpu.memory_space<vmem>>) attributes {dimension_semantics = [], scalar_prefetch = 0 : i64, scratch_operands = 0 : i64, tpu.core_type = #tpu.core_type<tc>} {
    %get3A = arith.constant 0 : index
    %get3A_0 = arith.constant 0 : index
    %get3A_1 = vector.load %arg2[%get3A, %get3A_0] : memref<10000x16xf32, #tpu.memory_space<vmem>>, vector<10000x16xf32>
    %slice3A = vector.extract_strided_slice %get3A_1 {offsets = [0, 0], sizes = [10000, 1], strides = [1, 1]} : vector<10000x16xf32> to vector<10000x1xf32>
    %get3A_2 = arith.constant 0 : index
    %get3A_3 = arith.constant 0 : index
    %get3A_4 = vector.load %arg0[%get3A_2, %get3A_3] : memref<10000x128xf32, #tpu.memory_space<vmem>>, vector<10000x128xf32>
    %mul3A = vector.broadcast %slice3A : vector<10000x1xf32> to vector<10000x128xf32>
    %mul3A_5 = arith.mulf %mul3A, %get3A_4 : vector<10000x128xf32>
    %get3A_6 = arith.constant 0 : index
    %get3A_7 = arith.constant 0 : index
    %get3A_8 = vector.load %arg1[%get3A_6, %get3A_7] : memref<10000x128xf32, #tpu.memory_space<vmem>>, vector<10000x128xf32>
    %add3A = arith.addf %mul3A_5, %get3A_8 : vector<10000x128xf32>
    %swap3A = arith.constant 0 : index
    %swap3A_9 = arith.constant 0 : index
    %swap3A_10 = vector.load %arg3[%swap3A, %swap3A_9] : memref<10000x128xf32, #tpu.memory_space<vmem>>, vector<10000x128xf32>
    tpu.vector_store %arg3[%swap3A, %swap3A_9], %mul3A_5 {strides = array<i32>} : memref<10000x128xf32, #tpu.memory_space<vmem>>, vector<10000x128xf32>,
    %swap3A_11 = arith.constant 0 : index
    %swap3A_12 = arith.constant 0 : index
    %swap3A_13 = vector.load %arg4[%swap3A_11, %swap3A_12] : memref<10000x128xf32, #tpu.memory_space<vmem>>, vector<10000x128xf32>
    tpu.vector_store %arg4[%swap3A_11, %swap3A_12], %add3A {strides = array<i32>} : memref<10000x128xf32, #tpu.memory_space<vmem>>, vector<10000x128xf32>,
    %mul3A_14 = vector.broadcast %slice3A : vector<10000x1xf32> to vector<10000x128xf32>
    %mul3A_15 = arith.mulf %mul3A_14, %add3A : vector<10000x128xf32>
    %swap3A_16 = arith.constant 0 : index
    %swap3A_17 = arith.constant 0 : index
    %swap3A_18 = vector.load %arg5[%swap3A_16, %swap3A_17] : memref<10000x128xf32, #tpu.memory_space<vmem>>, vector<10000x128xf32>
    tpu.vector_store %arg5[%swap3A_16, %swap3A_17], %mul3A_15 {strides = array<i32>} : memref<10000x128xf32, #tpu.memory_space<vmem>>, vector<10000x128xf32>,
    return
  }
}

module attributes {stable_mosaic.version = 14 : i64} {
  func.func @_final_body(%arg0: memref<10000x128xf32, #tpu.memory_space<vmem>>, %arg1: memref<10000x128xf32, #tpu.memory_space<vmem>>, %arg2: memref<10000x128xf32, #tpu.memory_space<vmem>>, %arg3: memref<10000x128xf32, #tpu.memory_space<vmem>>, %arg4: memref<10000x16xf32, #tpu.memory_space<vmem>>, %arg5: memref<5000x128xf32, #tpu.memory_space<vmem>>, %arg6: memref<5000x128xf32, #tpu.memory_space<vmem>>, %arg7: memref<10000x128xf32, #tpu.memory_space<vmem>>, %arg8: memref<10000x128xf32, #tpu.memory_space<vmem>>) attributes {dimension_semantics = [], scalar_prefetch = 0 : i64, scratch_operands = 0 : i64, tpu.core_type = #tpu.core_type<tc>} {
    %get3A = arith.constant 0 : index
    %get3A_0 = arith.constant 0 : index
    %get3A_1 = vector.load %arg4[%get3A, %get3A_0] : memref<10000x16xf32, #tpu.memory_space<vmem>>, vector<10000x16xf32>
    %slice3A = vector.extract_strided_slice %get3A_1 {offsets = [0, 0], sizes = [10000, 1], strides = [1, 1]} : vector<10000x16xf32> to vector<10000x1xf32>
    %get3A_2 = arith.constant 0 : index
    %get3A_3 = arith.constant 0 : index
    %get3A_4 = vector.load %arg0[%get3A_2, %get3A_3] : memref<10000x128xf32, #tpu.memory_space<vmem>>, vector<10000x128xf32>
    %mul3A = vector.broadcast %slice3A : vector<10000x1xf32> to vector<10000x128xf32>
    %mul3A_5 = arith.mulf %mul3A, %get3A_4 : vector<10000x128xf32>
    %swap3A = arith.constant 0 : index
    %swap3A_6 = arith.constant 0 : index
    %swap3A_7 = vector.load %arg7[%swap3A, %swap3A_6] : memref<10000x128xf32, #tpu.memory_space<vmem>>, vector<10000x128xf32>
    tpu.vector_store %arg7[%swap3A, %swap3A_6], %mul3A_5 {strides = array<i32>} : memref<10000x128xf32, #tpu.memory_space<vmem>>, vector<10000x128xf32>,
    %get3A_8 = arith.constant 0 : index
    %get3A_9 = arith.constant 0 : index
    %get3A_10 = vector.load %arg2[%get3A_8, %get3A_9] : memref<10000x128xf32, #tpu.memory_space<vmem>>, vector<10000x128xf32>
    %get3A_11 = arith.constant 0 : index
    %get3A_12 = arith.constant 0 : index
    %get3A_13 = vector.load %arg3[%get3A_11, %get3A_12] : memref<10000x128xf32, #tpu.memory_space<vmem>>, vector<10000x128xf32>
    %add3A = arith.addf %get3A_10, %get3A_13 : vector<10000x128xf32>
    %add3A_14 = arith.addf %add3A, %mul3A_5 : vector<10000x128xf32>
    %get3A_15 = arith.constant 0 : index
    %get3A_16 = arith.constant 0 : index
    %get3A_17 = vector.load %arg1[%get3A_15, %get3A_16] : memref<10000x128xf32, #tpu.memory_space<vmem>>, vector<10000x128xf32>
    %add3A_18 = arith.addf %add3A_14, %get3A_17 : vector<10000x128xf32>
    %get3A_19 = arith.constant 0 : index
    %get3A_20 = arith.constant 0 : index
    %get3A_21 = vector.load %arg5[%get3A_19, %get3A_20] : memref<5000x128xf32, #tpu.memory_space<vmem>>, vector<5000x128xf32>
    %slice3A_22 = vector.extract_strided_slice %add3A_18 {offsets = [0, 0], sizes = [5000, 128], strides = [1, 1]} : vector<10000x128xf32> to vector<5000x128xf32>
    %add3A_23 = arith.addf %get3A_21, %slice3A_22 : vector<5000x128xf32>
    %swap3A_24 = arith.constant 0 : index
    %swap3A_25 = arith.constant 0 : index
    %swap3A_26 = vector.load %arg8[%swap3A_24, %swap3A_25] : memref<10000x128xf32, #tpu.memory_space<vmem>>, vector<5000x128xf32>
    tpu.vector_store %arg8[%swap3A_24, %swap3A_25], %add3A_23 {strides = array<i32>} : memref<10000x128xf32, #tpu.memory_space<vmem>>, vector<5000x128xf32>,
    %get3A_27 = arith.constant 0 : index
    %get3A_28 = arith.constant 0 : index
    %get3A_29 = vector.load %arg6[%get3A_27, %get3A_28] : memref<5000x128xf32, #tpu.memory_space<vmem>>, vector<5000x128xf32>
    %slice3A_30 = vector.extract_strided_slice %add3A_18 {offsets = [5000, 0], sizes = [5000, 128], strides = [1, 1]} : vector<10000x128xf32> to vector<5000x128xf32>
    %add3A_31 = arith.addf %get3A_29, %slice3A_30 : vector<5000x128xf32>
    %swap3A_32 = arith.constant 5000 : index
    %swap3A_33 = arith.constant 0 : index
    %swap3A_34 = vector.load %arg8[%swap3A_32, %swap3A_33] : memref<10000x128xf32, #tpu.memory_space<vmem>>, vector<5000x128xf32>
    tpu.vector_store %arg8[%swap3A_32, %swap3A_33], %add3A_31 {strides = array<i32>} : memref<10000x128xf32, #tpu.memory_space<vmem>>, vector<5000x128xf32>,
    return
  }
}

</mosaic_0001>

<sc_bundles>
// kernel: kernel.10.cloned.1.call-start
scs
__scs_entry_jumppad:
0x0: {  	(pc) =	sbr.rel $0x88, $3  }
0x1: {  	(tag) =	ssettag $0x0;
	lr =	simm.s32 $0x1  }
0x2: {  	[smem:$0x3F9E] =	sst lr;
	_ =	strace $0xD0000000  }
0x3: {  	_ = 	snop  }
0x4: {  	_ = 	snop  }
0x5: {  	_ = 	snop  }
0x6: {  	_ = 	snop  }
0x7: {  	_ = 	snop  }
__scs_overlays_trampoline_lowered:
0x8: {  	[smem:$0x3FAD] =	sst s0  }
0x9: {  	[smem:$0x3FAE] =	sst s1  }
0xa: {  	[smem:$0x3FAF] =	sst s2  }
0xb: {  	[smem:$0x3FB0] =	sst s3  }
0xc: {  	[smem:$0x3FB1] =	sst s4  }
0xd: {  	[smem:$0x3FB2] =	sst s5  }
0xe: {  	[smem:$0x3FB3] =	sst s6  }
0xf: {  	[smem:$0x3FB4] =	sst s7  }
0x10: {  	[smem:$0x3FB5] =	sst s8  }
0x11: {  	[smem:$0x3FB6] =	sst s9;
	s0 =	simm.s32 @!p0 $0x0  }
0x12: {  	s1 =	sld [smem:$0x3F9C];
	s0 =	simm.s32 @p0 $0x1  }
0x13: {  	[smem:$0x3FB7] =	sst s0;
	s0 =	simm.s32 @!p1 $0x0  }
0x14: {  	s2 =	sld [smem:$0x3F9B];
	s0 =	simm.s32 @p1 $0x1  }
0x15: {  	[smem:$0x3FB8] =	sst s0;
	s0 =	simm.s32 @!p2 $0x0  }
0x16: {  	s3 =	sld [smem:$0x3FDB];
	s0 =	simm.s32 @p2 $0x1  }
0x17: {  	s4 =	simm.s32 $0x1BF5;
	[smem:$0x3FBA] =	sst s0  }
0x18: {  	s0 =	sld [smem:$0x3F9D];
	_ =	swait.ge [sflag:s4], $0x0  }
0x19: {  	s7 =	sld [smem:$0x3F9E]  }
0x1a: {  	s8 =	sadd.s32 $0xFFFFE003, lr  }
0x1b: {  	s9 =	sadd.s32 $0xFFFFFEF7, lr;
	s5 =	simm.s32 $0xFFFFFFFF;
	p2 =	slt.u32 s8, $0xFFFFF086  }
0x1c: {  	p1 =	slt.u32 s9, $0xF7A;
	s5 =	simm.s32 @!p2 $0x0  }
0x1d: {  	s5 =	simm.s32 @p1 $0x1;
	p0 =	seq.s32 s7, s2  }
0x1e: {  	s7 =	smul.u32 @!p0 $0xF7A, s2;
	p2 =	seq.s32 @!p0 s5, $0x0  }
0x1f: {  	s9 =	smul.u32 $0xF7A, s1;
	s8 =	simm.s32 @!p0 $0x1BF5;
	p2 =	por !p2, p0  }
0x20: {  	[sflag:s8] =	ssyncset.s32 @!p0 $0xFFFFF086;
	s6 =	sadd.s32 @!p0 s3, s7;
	s7 =	simm.s32 @!p0 $0x108  }
0x21: {  	s3 =	sadd.s32 s3, s9;
	s6 =	sadd.s32 @!p0 $0x88, s6;
	s7 =	simm.s32 @p2 $0x1082  }
0x22: {  	[simem:s7], [sflag:s8] =	dma.local @!p0 [hbm:s6], $0xF7A  }
0x23: {  	s9 =	sor.u32 $0xD0000000, s2;
	s6 =	simm.s32 $0x108;
	_ =	swait.ge @!p0 [sflag:s8], $0x0  }
0x24: {  	s3 =	sadd.s32 $0x88, s3;
	s6 =	simm.s32 @!p1 $0x1082;
	[sflag:s4] =	ssyncset.s32 $0xFFFFF086  }
0x25: {  	[simem:s6], [sflag:s4] =	dma.local [hbm:s3], $0xF7A  }
0x26: {  	[smem:$0x3F9E] =	sst s1;
	(tag) =	ssettag s2;
	_ =	strace s9  }
0x27: {  	s1 =	sld [smem:$0x3FAE]  }
0x28: {  	s2 =	sld [smem:$0x3FAF]  }
0x29: {  	s4 =	sld [smem:$0x3FB1]  }
0x2a: {  	p0 =	seq.s32 s5, $0x0;
	s5 =	sld [smem:$0x3FB2]  }
0x2b: {  	s6 =	sld [smem:$0x3FB3]  }
0x2c: {  	s7 =	sld [smem:$0x3FB4]  }
0x2d: {  	s3 =	simm.s32 $0x108;
	s8 =	sld [smem:$0x3FB5]  }
0x2e: {  	s3 =	simm.s32 @!p0 $0x1082;
	s9 =	sld [smem:$0x3FB6]  }
0x2f: {  	lr =	sadd.s32 s0, s3;
	s0 =	sld [smem:$0x3FAD]  }
0x30: {  	s3 =	sld [smem:$0x3FB0]  }
0x31: {  	[smem:$0x3FB9] =	sst s10  }
0x32: {  	s10 =	sld [smem:$0x3FB7];
	_ =	sdelay $0x3  }
0x33: {  	p0 =	seq.s32 s10, $0x1;
	s10 =	sld [smem:$0x3FB9];
	_ =	sdelay $0x3  }
0x34: {  	[smem:$0x3FB9] =	sst s10  }
0x35: {  	s10 =	sld [smem:$0x3FB8];
	_ =	sdelay $0x3  }
0x36: {  	p1 =	seq.s32 s10, $0x1;
	s10 =	sld [smem:$0x3FB9];
	_ =	sdelay $0x3  }
0x37: {  	[smem:$0x3FB9] =	sst s10  }
0x38: {  	s10 =	sld [smem:$0x3FBA]  }
0x39: {  	_ = 	snop;
	(pc) =	sbr.ind lr, $3  }
0x3a: {  	_ = 	snop  }
0x3b: {  	_ = 	snop  }
0x3c: {  	p2 =	seq.s32 s10, $0x1;
	s10 =	sld [smem:$0x3FB9]  }
0x3d: {  	_ =	shalt  }
0x3e: {  	_ =	shalt  }
0x3f: {  	_ =	shalt  }
0x40: {  	_ =	shalt  }
0x41: {  	_ =	shalt  }
0x42: {  	_ =	shalt  }
0x43: {  	_ =	shalt  }
0x44: {  	_ =	shalt  }
0x45: {  	_ =	shalt  }
0x46: {  	_ =	shalt  }
0x47: {  	_ =	shalt  }
0x48: {  	_ =	shalt  }
0x49: {  	_ =	shalt  }
0x4a: {  	_ =	shalt  }
0x4b: {  	_ =	shalt  }
0x4c: {  	_ =	shalt  }
0x4d: {  	_ =	shalt  }
0x4e: {  	_ =	shalt  }
0x4f: {  	_ =	shalt  }
0x50: {  	_ =	shalt  }
0x51: {  	_ =	shalt  }
0x52: {  	_ =	shalt  }
0x53: {  	_ =	shalt  }
0x54: {  	_ =	shalt  }
0x55: {  	_ =	shalt  }
0x56: {  	_ =	shalt  }
0x57: {  	_ =	shalt  }
0x58: {  	_ =	shalt  }
0x59: {  	_ =	shalt  }
0x5a: {  	_ =	shalt  }
0x5b: {  	_ =	shalt  }
0x5c: {  	_ =	shalt  }
0x5d: {  	_ =	shalt  }
0x5e: {  	_ =	shalt  }
0x5f: {  	_ =	shalt  }
0x60: {  	_ =	shalt  }
0x61: {  	_ =	shalt  }
0x62: {  	_ =	shalt  }
0x63: {  	_ =	shalt  }
0x64: {  	_ =	shalt  }
0x65: {  	_ =	shalt  }
0x66: {  	_ =	shalt  }
0x67: {  	_ =	shalt  }
0x68: {  	_ =	shalt  }
0x69: {  	_ =	shalt  }
0x6a: {  	_ =	shalt  }
0x6b: {  	_ =	shalt  }
0x6c: {  	_ =	shalt  }
0x6d: {  	_ =	shalt  }
0x6e: {  	_ =	shalt  }
0x6f: {  	_ =	shalt  }
0x70: {  	_ =	shalt  }
0x71: {  	_ =	shalt  }
0x72: {  	_ =	shalt  }
0x73: {  	_ =	shalt  }
0x74: {  	_ =	shalt  }
0x75: {  	_ =	shalt  }
0x76: {  	_ =	shalt  }
0x77: {  	_ =	shalt  }
0x78: {  	_ =	shalt  }
0x79: {  	_ =	shalt  }
0x7a: {  	_ =	shalt  }
0x7b: {  	_ =	shalt  }
0x7c: {  	_ =	shalt  }
0x7d: {  	_ =	shalt  }
0x7e: {  	_ =	shalt  }
0x7f: {  	_ =	shalt  }
0x80: {  	_ =	shalt  }
0x81: {  	_ =	shalt  }
0x82: {  	_ =	shalt  }
0x83: {  	_ =	shalt  }
0x84: {  	_ =	shalt  }
0x85: {  	_ =	shalt  }
0x86: {  	_ =	shalt  }
0x87: {  	_ =	shalt  }
.Lfunc_end0:
.L_simem_size_0:
called_computation_lowered:
.L_overlay_start_0:
0x88: {  	s2 =	sld [smem:$0x3FD9]  }
0x89: {  	s3 =	sld [smem:$0x3FFE];
	_ =	sdelay $0x1  }
0x8a: {  	s1 =	srdreg.scid  }
0x8b: {  	s0 =	sand.u32 $0x1, s1  }
0x8c: {  	s14 =	sshll.u32 s0, $0xA;
	s2 =	sadd.s32 s3, s2  }
0x8d: {  	s2 =	sadd.s32 s2, s14  }
0x8e: {  	[smem:$0x3FC5] =	sst s2  }
0x8f: {  	_ = 	snop  }
0x90: {  	s2 =	sld [smem:$0x3FD0];
	_ =	sdelay $0x2  }
0x91: {  	s15 =	simm.s32 $0xA;
	s4 =	simm.s32 $0x10  }
0x92: {  	[smem:s4], [sflag:s15] =	dma.local [hbm:s2], $0x1  }
0x93: {  	_ =	swait.eq [sflag:s15], $0x1  }
0x94: {  	[sflag:s15] =	ssyncset.done $0x0  }
0x95: {  	s16 =	sld [smem:$0x10];
	[sflag:s15] =	ssyncadd.s32 $0xFFFFFFFF  }
0x96: {  	s17 =	sld [smem:$0x11];
	(tm) =	ssettm $0x1  }
0x97: {  	s18 =	sld [smem:$0x3FFB];
	_ =	sdelay $0x3  }
0x98: {  	_ =	strace s18  }
0x99: {  	s4 =	sld [smem:$0x3FFC];
	_ =	sdelay $0x3  }
0x9a: {  	_ =	strace s4  }
0x9b: {  	s4 =	sld [smem:$0x3FFD];
	_ =	sdelay $0x3  }
0x9c: {  	_ =	strace s4  }
0x9d: {  	_ =	strace $0x8FFFFFFF  }
0x9e: {  	s19 =	sld [smem:$0x3FDB];
	_ =	sdelay $0x1  }
0x9f: {  	s5 =	simm.s32 $_scs_section_size  }
0xa0: {  	s6 =	simm.s32 $_size__tile_overlayer_lowered;
	s7 =	simm.s32 $_tile_overlayer_lowered  }
0xa1: {  	s22 =	simm.s32 $0x1BFF;
	s21 =	sshll.u32 s7, $0x1;
	s4 =	sadd.s32 s5, s19  }
0xa2: {  	s8 =	simm.s32 $0x0;
	s20 =	sshll.u32 s6, $0x1;
	s6 =	sadd.s32 s21, s4  }
0xa3: {  	[timem:s8], [sflag:s22] =	dma.local [hbm:s6], s20  }
0xa4: {  	_ =	swait.ge [sflag:s22], s20  }
0xa5: {  	s5 =	ssub.s32 $0x0, s20;
	[sflag:s22] =	ssyncset.done $0x0  }
0xa6: {  	[sflag:s22] =	ssyncadd.s32 s5;
	_ =	sdelay $0x1  }
0xa7: {  	s23 =	simm.s32 $0x1B8B  }
0xa8: {  	_ =	swait.ge [sflag:s23], $0x1  }
0xa9: {  	[sflag:s23] =	ssyncset.done $0x0  }
0xaa: {  	s25 =	simm.s32 $0x1B8E;
	s24 =	sld [smem:$0x3FFE];
	[sflag:s23] =	ssyncadd.s32 $0xFFFFFFFF  }
0xab: {  	s26 =	simm.s32 $execute0_lowered;
	[smem:$0x3FD2] =	sst s25  }
0xac: {  	s6 =	sshll.u32 s26, $0x1;
	_ =	strace $0x80000046;
	[dreg:$0x1] =	wrdreg $0xFFFFFFFF  }
0xad: {  	s28 =	simm.s32 $_size_execute0_lowered;
	s4 =	sadd.s32 s4, s6;
	[dreg:$0x0] =	wrdreg $0x0  }
0xae: {  	s6 =	sshll.u32 s28, $0x1;
	[dreg:$0x2] =	wrdreg s4  }
0xaf: {  	[dreg:$0x3] =	wrdreg s6  }
0xb0: {  	[dreg:$0x4] =	wrdreg $0xC0  }
0xb1: {  	_ =	task [dreg:s8], $0x5FFFF  }
0xb2: {  	[dreg:$0x1] =	wrdreg $0xFFFFFFFF  }
0xb3: {  	[dreg:$0x0] =	wrdreg $0x60  }
0xb4: {  	[dreg:$0x2] =	wrdreg s24  }
0xb5: {  	[dreg:$0x3] =	wrdreg s17  }
0xb6: {  	[dreg:$0x4] =	wrdreg s16  }
0xb7: {  	[dreg:$0x5] =	wrdreg $0x90000  }
0xb8: {  	[dreg:$0x6] =	wrdreg $0x9  }
0xb9: {  	_ =	task.clear_ibuf [dreg:s8], $0x7FFFF;
	_ =	strace $0x90000046  }
0xba: {  	s29 =	simm.s32 $0x9;
	_ =	strace $0x80000048  }
0xbb: {  	_ =	swait.ge [sflag:s29], $0x1  }
0xbc: {  	[sflag:s29] =	ssyncadd.s32 $0xFFFFFFFF  }
0xbd: {  	_ =	strace $0x90000048  }
0xbe: {  	_ =	sfence  }
0xbf: {  	s30 =	sld [smem:$0x0];
	_ =	sdelay $0x2  }
0xc0: {  	s31 =	sshll.u32 s1, $0xD;
	s1 =	sshrl.u32 s1, $0x2  }
0xc1: {  	s3 =	sand.u32 $0x4000, s31;
	s1 =	sadd.s32 s1, s30  }
0xc2: {  	s0 =	sor.u32 s3, s0;
	s1 =	sshll.u32 s1, $0x11  }
0xc3: {  	s0 =	sor.u32 s1, s0  }
0xc4: {  	s0 =	sadd.s32 $0x8F2B, s0  }
0xc5: {  	[sflag:s0] =	ssyncadd.remote.s32 $0x1  }
0xc6: {  	_ =	sfence.sel $0xFFFF  }
0xc7: {  	[dreg:$0x0] =	wrdreg $0xFFFFFFFF;
	(pc) =	sbr.abs _section_cstart, $3  }
0xc8: {  	[dreg:$0x1] =	wrdreg $0xFFFFFFFF  }
0xc9: {  	_ =	task.clear_ibuf [dreg:s8], $0x2FFFF;
	_ =	strace $0x9FFFFFFF  }
0xca: {  	(tm) =	ssettm $0x7FFFFFFF  }
0xcb: {  	_ =	shalt  }
tec
execute0_lowered:
.L_overlay_start_1:
0x0: {  	(tag) =	ssettag $0x1  }
0x1: {  	s5 =	rddreg [dreg:$0x0]  }
0x2: {  	s1 =	rddreg [dreg:$0x1]  }
0x3: {  	s8 =	rddreg [dreg:$0x2]  }
0x4: {  	s0 =	srdreg.scid;
	s3 =	rddreg [dreg:$0x3]  }
0x5: {  	s2 =	rddreg [dreg:$0x4];
	s6 =	sand.u32 $0x1, s0  }
0x6: {  	s4 =	simm.s32 $0x0;
	s0 =	stileid.u32;
	s7 =	smul.u32 $0x50000, s6  }
0x7: {  	s14 =	simm.s32 $0x1;
	s15 =	simm.s32 $0x2;
	s9 =	smul.u32 $0x5000, s0  }
0x8: {  	s17 =	simm.s32 $0x0;
	[smem:$0x7FF] =	sst s4;
	s28 =	smul.u32 $0x140, s0  }
0x9: {  	_ =	strace $0x80000047;
	s10 =	ssub.s32 $0x2, s6;
	s6 =	smul.u32 $0x1388, s6  }
0xa: {  	s30 =	sshll.u32 s0, $0x6;
	s11 =	sshrl.u32 s10, $0x1;
	s7 =	sadd.s32 s9, s7  }
0xb: {  	s12 =	smin.u32 s28, $0x1250;
	s10 =	ssub.s32 s10, s11;
	s9 =	smin.u32 s28, $0x1248  }
0xc: {  	s7 =	sshrl.u32 s7, $0x3;
	s29 =	sshll.u32 s12, $0x7;
	s13 =	sadd.s32 s6, s9  }
0xd: {  	s6 =	sor.u32 $0x1C03, s30;
	s9 =	sshll.u32 s9, $0x7;
	s12 =	simm.s32 $0x5000  }
0xe: {  	s7 =	sadd.s32 s7, s5;
	s5 =	sadd.s32 $0x17600, s5;
	s11 =	sadd.s32 s29, s3  }
0xf: {  	s31 =	sshll.u32 s13, $0x4;
	s16 =	sadd.s32 s9, s3;
	s9 =	smax.u32 s10, $0x1  }
0x10: {  	s13 =	simm.s32 $0x80;
	s7 =	sadd.s32 $0x3600, s7;
	s8 =	sadd.s32 s8, s31  }
0x11: {  	s10 =	sshrl.u32 s11, $0x3;
	s11 =	simm.s32 $0x3;
	s16 =	sshrl.u32 s16, $0x3  }
.LBB2_1:
0x12: {  	[spmem:s10], [sflag:s6] =	dma.local [hbm:s5], $0x1400  }
0x13: {  	_ =	swait.ge [sflag:s11], $0x1400  }
0x14: {  	[sflag:s11] =	ssyncset.done $0x0  }
0x15: {  	[sflag:s11] =	ssyncadd.s32 $0xFFFFEC00  }
0x16: {  	[tilespmem:s4], [sflag:$0x3] =	stream.linear.gather [hbm4b:s7+s4], $0x4F00, $0x38;
	[tilespmem:$0x12C80] =	vst v63  }
0x17: {  	_ =	swait.ge [sflag:s11], $0x4F00  }
0x18: {  	[sflag:s11] =	ssyncset.done $0x0  }
0x19: {  	[sflag:s11] =	ssyncadd.s32 $0xFFFFB100  }
0x1a: {  	[tilespmem:s12], [sflag:$0x3] =	stream.linear.gather [hbm4b:s1+s4], $0x4000, $0x38;
	[tilespmem:$0x12C80] =	vst v63  }
0x1b: {  	_ =	swait.ge [sflag:s11], $0x4000  }
0x1c: {  	[sflag:s11] =	ssyncset.done $0x0  }
0x1d: {  	[sflag:s11] =	ssyncadd.s32 $0xFFFFC000  }
0x1e: {  	[bflag:$0x0] =	sbarrier.arrive $0xFFFF  }
0x1f: {  	[spmem:s3] =	stream.indirect.scatter.add.f32 [tilespmem:s12], [sflag:$0x1], $0x80, s4, s13, $0xb8;
	[tilespmem:$0x12C80] =	vst v63  }
0x20: {  	_ = 	snop  }
0x21: {  	[spmem:s3] =	stream.indirect.scatter.add.f32 [tilespmem:s12], [sflag:$0x2], $0x80, s13, s13, $0xb8;
	[tilespmem:$0x12C80] =	vst v63  }
0x22: {  	_ =	swait.ge [sflag:s14], $0x4000  }
0x23: {  	[sflag:s14] =	ssyncset.done $0x0  }
0x24: {  	s18 =	simm.s32 $0x100;
	[sflag:s14] =	ssyncadd.s32 $0xFFFFC000  }
0x25: {  	[spmem:s3] =	stream.indirect.scatter.add.f32 [tilespmem:s12], [sflag:$0x1], $0x80, s18, s13, $0xb8;
	[tilespmem:$0x12C80] =	vst v63  }
0x26: {  	_ =	swait.ge [sflag:s15], $0x4000  }
0x27: {  	[sflag:s15] =	ssyncset.done $0x0  }
0x28: {  	s19 =	simm.s32 $0x180;
	s18 =	simm.s32 $0xFFFECC00;
	[sflag:s15] =	ssyncadd.s32 $0xFFFFC000  }
.LBB2_2:
0x29: {  	[spmem:s3] =	stream.indirect.scatter.add.f32 [tilespmem:s12], [sflag:$0x2], $0x80, s19, s13, $0xb8;
	[tilespmem:$0x12C80] =	vst v63  }
0x2a: {  	s19 =	smov.u32 s18  }
0x2b: {  	p0 =	sne.s32 s18, $0xFFFFFC00;
	s18 =	sadd.s32 $0x400, s18;
	_ =	swait.ge [sflag:s14], $0x4000  }
0x2c: {  	s19 =	sshra.s32 s19, $0x2;
	[sflag:s14] =	ssyncset.done $0x0  }
.Ltmp0:
0x2d: {  	s20 =	sadd.s32 $0x4F00, s19;
	[sflag:s14] =	ssyncadd.s32 $0xFFFFC000;
	(pc) =	sbr.rel @p0 .LBB2_2-.Ltmp0, $4  }
0x2e: {  	[spmem:s3] =	stream.indirect.scatter.add.f32 [tilespmem:s12], [sflag:$0x1], $0x80, s20, s13, $0xb8;
	[tilespmem:$0x12C80] =	vst v63  }
0x2f: {  	_ =	swait.ge [sflag:s15], $0x4000  }
0x30: {  	[sflag:s15] =	ssyncset.done $0x0  }
0x31: {  	s19 =	sadd.s32 $0x4F80, s19;
	[sflag:s15] =	ssyncadd.s32 $0xFFFFC000  }
0x32: {  	[spmem:s3] =	stream.indirect.scatter.add.f32 [tilespmem:s12], [sflag:$0x2], $0x80, s19, s13, $0xb8;
	[tilespmem:$0x12C80] =	vst v63  }
0x33: {  	_ =	swait.ge [sflag:s14], $0x4000  }
0x34: {  	[sflag:s14] =	ssyncset.done $0x0  }
0x35: {  	[sflag:s14] =	ssyncadd.s32 $0xFFFFC000  }
0x36: {  	_ =	swait.ge [sflag:s15], $0x4000  }
0x37: {  	s17 =	sadd.s32 $0x1, s17;
	[sflag:s15] =	ssyncset.done $0x0  }
0x38: {  	p0 =	sne.s32 s17, s9;
	[sflag:s15] =	ssyncadd.s32 $0xFFFFC000  }
.Ltmp1:
0x39: {  	[bflag:$0x0] =	sbarrier.arrive $0xFFFF;
	(pc) =	sbr.rel @p0 .LBB2_1-.Ltmp1, $4  }
0x3a: {  	[hbm:s8], [sflag:s6] =	dma.local [spmem:s16], $0x1400  }
0x3b: {  	_ =	swait.ge [sflag:s11], $0x1400  }
0x3c: {  	[sflag:s11] =	ssyncset.done $0x0  }
0x3d: {  	[sflag:s11] =	ssyncadd.s32 $0xFFFFEC00  }
0x3e: {  	_ =	sfence.sel $0x180000  }
0x3f: {  	[bflag:$0x0] =	sbarrier.arrive $0xFFFF  }
0x40: {  	p0 =	sne.s32 s0, $0x0;
	_ =	strace $0x90000047  }
0x41: {  	s0 =	sadd.s32 @!p0 $0x100000, s2;
	[bflag:$0x2] =	sbarrier.arrive $0xFFFF  }
0x42: {  	[sflag:s0] =	ssyncadd.tile.s32 @!p0 $0x1;
	_ =	shalt  }
.Lfunc_end2:
_tile_overlayer_lowered:
.L_overlay_start_2:
0x43: {  	(tag) =	ssettag $0x2  }
0x44: {  	s0 =	rddreg [dreg:$0x0];
	s2 =	stileid.u32  }
0x45: {  	s1 =	rddreg [dreg:$0x1];
	p0 =	sne.s32 s2, $0x0  }
0x46: {  	s3 =	rddreg [dreg:$0x2];
	[bflag:$0x3] =	sbarrier.arrive $0xFFFF;
	s2 =	simm.s32 @!p0 $0x1C03  }
0x47: {  	[timem:s3], [sflag:s2] =	dma.local @!p0 [hbm:s0], s1  }
0x48: {  	s0 =	simm.s32 @!p0 $0x3  }
0x49: {  	_ =	swait.ge @!p0 [sflag:s0], s1  }
0x4a: {  	s1 =	ssub.s32 @!p0 $0x0, s1;
	[sflag:s0] =	ssyncset.done @!p0 $0x0  }
0x4b: {  	[sflag:s0] =	ssyncadd.s32 @!p0 s1  }
0x4c: {  	[bflag:$0x3] =	sbarrier.arrive $0xFFFF  }
0x4d: {  	_ =	shalt  }

// kernel: kernel.13.cloned.1.call-start
scs
__scs_entry_jumppad:
0x0: {  	(pc) =	sbr.rel $0x88, $3  }
0x1: {  	(tag) =	ssettag $0x0;
	lr =	simm.s32 $0x1  }
0x2: {  	[smem:$0x3F9E] =	sst lr;
	_ =	strace $0xD0000000  }
0x3: {  	_ = 	snop  }
0x4: {  	_ = 	snop  }
0x5: {  	_ = 	snop  }
0x6: {  	_ = 	snop  }
0x7: {  	_ = 	snop  }
__scs_overlays_trampoline_lowered:
0x8: {  	[smem:$0x3FAD] =	sst s0  }
0x9: {  	[smem:$0x3FAE] =	sst s1  }
0xa: {  	[smem:$0x3FAF] =	sst s2  }
0xb: {  	[smem:$0x3FB0] =	sst s3  }
0xc: {  	[smem:$0x3FB1] =	sst s4  }
0xd: {  	[smem:$0x3FB2] =	sst s5  }
0xe: {  	[smem:$0x3FB3] =	sst s6  }
0xf: {  	[smem:$0x3FB4] =	sst s7  }
0x10: {  	[smem:$0x3FB5] =	sst s8  }
0x11: {  	[smem:$0x3FB6] =	sst s9;
	s0 =	simm.s32 @!p0 $0x0  }
0x12: {  	s1 =	sld [smem:$0x3F9C];
	s0 =	simm.s32 @p0 $0x1  }
0x13: {  	[smem:$0x3FB7] =	sst s0;
	s0 =	simm.s32 @!p1 $0x0  }
0x14: {  	s2 =	sld [smem:$0x3F9B];
	s0 =	simm.s32 @p1 $0x1  }
0x15: {  	[smem:$0x3FB8] =	sst s0;
	s0 =	simm.s32 @!p2 $0x0  }
0x16: {  	s3 =	sld [smem:$0x3FDB];
	s0 =	simm.s32 @p2 $0x1  }
0x17: {  	s4 =	simm.s32 $0x1BF5;
	[smem:$0x3FBA] =	sst s0  }
0x18: {  	s0 =	sld [smem:$0x3F9D];
	_ =	swait.ge [sflag:s4], $0x0  }
0x19: {  	s7 =	sld [smem:$0x3F9E]  }
0x1a: {  	s8 =	sadd.s32 $0xFFFFE003, lr  }
0x1b: {  	s9 =	sadd.s32 $0xFFFFFEF7, lr;
	s5 =	simm.s32 $0xFFFFFFFF;
	p2 =	slt.u32 s8, $0xFFFFF086  }
0x1c: {  	p1 =	slt.u32 s9, $0xF7A;
	s5 =	simm.s32 @!p2 $0x0  }
0x1d: {  	s5 =	simm.s32 @p1 $0x1;
	p0 =	seq.s32 s7, s2  }
0x1e: {  	s7 =	smul.u32 @!p0 $0xF7A, s2;
	p2 =	seq.s32 @!p0 s5, $0x0  }
0x1f: {  	s9 =	smul.u32 $0xF7A, s1;
	s8 =	simm.s32 @!p0 $0x1BF5;
	p2 =	por !p2, p0  }
0x20: {  	[sflag:s8] =	ssyncset.s32 @!p0 $0xFFFFF086;
	s6 =	sadd.s32 @!p0 s3, s7;
	s7 =	simm.s32 @!p0 $0x108  }
0x21: {  	s3 =	sadd.s32 s3, s9;
	s6 =	sadd.s32 @!p0 $0x88, s6;
	s7 =	simm.s32 @p2 $0x1082  }
0x22: {  	[simem:s7], [sflag:s8] =	dma.local @!p0 [hbm:s6], $0xF7A  }
0x23: {  	s9 =	sor.u32 $0xD0000000, s2;
	s6 =	simm.s32 $0x108;
	_ =	swait.ge @!p0 [sflag:s8], $0x0  }
0x24: {  	s3 =	sadd.s32 $0x88, s3;
	s6 =	simm.s32 @!p1 $0x1082;
	[sflag:s4] =	ssyncset.s32 $0xFFFFF086  }
0x25: {  	[simem:s6], [sflag:s4] =	dma.local [hbm:s3], $0xF7A  }
0x26: {  	[smem:$0x3F9E] =	sst s1;
	(tag) =	ssettag s2;
	_ =	strace s9  }
0x27: {  	s1 =	sld [smem:$0x3FAE]  }
0x28: {  	s2 =	sld [smem:$0x3FAF]  }
0x29: {  	s4 =	sld [smem:$0x3FB1]  }
0x2a: {  	p0 =	seq.s32 s5, $0x0;
	s5 =	sld [smem:$0x3FB2]  }
0x2b: {  	s6 =	sld [smem:$0x3FB3]  }
0x2c: {  	s7 =	sld [smem:$0x3FB4]  }
0x2d: {  	s3 =	simm.s32 $0x108;
	s8 =	sld [smem:$0x3FB5]  }
0x2e: {  	s3 =	simm.s32 @!p0 $0x1082;
	s9 =	sld [smem:$0x3FB6]  }
0x2f: {  	lr =	sadd.s32 s0, s3;
	s0 =	sld [smem:$0x3FAD]  }
0x30: {  	s3 =	sld [smem:$0x3FB0]  }
0x31: {  	[smem:$0x3FB9] =	sst s10  }
0x32: {  	s10 =	sld [smem:$0x3FB7];
	_ =	sdelay $0x3  }
0x33: {  	p0 =	seq.s32 s10, $0x1;
	s10 =	sld [smem:$0x3FB9];
	_ =	sdelay $0x3  }
0x34: {  	[smem:$0x3FB9] =	sst s10  }
0x35: {  	s10 =	sld [smem:$0x3FB8];
	_ =	sdelay $0x3  }
0x36: {  	p1 =	seq.s32 s10, $0x1;
	s10 =	sld [smem:$0x3FB9];
	_ =	sdelay $0x3  }
0x37: {  	[smem:$0x3FB9] =	sst s10  }
0x38: {  	s10 =	sld [smem:$0x3FBA]  }
0x39: {  	_ = 	snop;
	(pc) =	sbr.ind lr, $3  }
0x3a: {  	_ = 	snop  }
0x3b: {  	_ = 	snop  }
0x3c: {  	p2 =	seq.s32 s10, $0x1;
	s10 =	sld [smem:$0x3FB9]  }
0x3d: {  	_ =	shalt  }
0x3e: {  	_ =	shalt  }
0x3f: {  	_ =	shalt  }
0x40: {  	_ =	shalt  }
0x41: {  	_ =	shalt  }
0x42: {  	_ =	shalt  }
0x43: {  	_ =	shalt  }
0x44: {  	_ =	shalt  }
0x45: {  	_ =	shalt  }
0x46: {  	_ =	shalt  }
0x47: {  	_ =	shalt  }
0x48: {  	_ =	shalt  }
0x49: {  	_ =	shalt  }
0x4a: {  	_ =	shalt  }
0x4b: {  	_ =	shalt  }
0x4c: {  	_ =	shalt  }
0x4d: {  	_ =	shalt  }
0x4e: {  	_ =	shalt  }
0x4f: {  	_ =	shalt  }
0x50: {  	_ =	shalt  }
0x51: {  	_ =	shalt  }
0x52: {  	_ =	shalt  }
0x53: {  	_ =	shalt  }
0x54: {  	_ =	shalt  }
0x55: {  	_ =	shalt  }
0x56: {  	_ =	shalt  }
0x57: {  	_ =	shalt  }
0x58: {  	_ =	shalt  }
0x59: {  	_ =	shalt  }
0x5a: {  	_ =	shalt  }
0x5b: {  	_ =	shalt  }
0x5c: {  	_ =	shalt  }
0x5d: {  	_ =	shalt  }
0x5e: {  	_ =	shalt  }
0x5f: {  	_ =	shalt  }
0x60: {  	_ =	shalt  }
0x61: {  	_ =	shalt  }
0x62: {  	_ =	shalt  }
0x63: {  	_ =	shalt  }
0x64: {  	_ =	shalt  }
0x65: {  	_ =	shalt  }
0x66: {  	_ =	shalt  }
0x67: {  	_ =	shalt  }
0x68: {  	_ =	shalt  }
0x69: {  	_ =	shalt  }
0x6a: {  	_ =	shalt  }
0x6b: {  	_ =	shalt  }
0x6c: {  	_ =	shalt  }
0x6d: {  	_ =	shalt  }
0x6e: {  	_ =	shalt  }
0x6f: {  	_ =	shalt  }
0x70: {  	_ =	shalt  }
0x71: {  	_ =	shalt  }
0x72: {  	_ =	shalt  }
0x73: {  	_ =	shalt  }
0x74: {  	_ =	shalt  }
0x75: {  	_ =	shalt  }
0x76: {  	_ =	shalt  }
0x77: {  	_ =	shalt  }
0x78: {  	_ =	shalt  }
0x79: {  	_ =	shalt  }
0x7a: {  	_ =	shalt  }
0x7b: {  	_ =	shalt  }
0x7c: {  	_ =	shalt  }
0x7d: {  	_ =	shalt  }
0x7e: {  	_ =	shalt  }
0x7f: {  	_ =	shalt  }
0x80: {  	_ =	shalt  }
0x81: {  	_ =	shalt  }
0x82: {  	_ =	shalt  }
0x83: {  	_ =	shalt  }
0x84: {  	_ =	shalt  }
0x85: {  	_ =	shalt  }
0x86: {  	_ =	shalt  }
0x87: {  	_ =	shalt  }
.Lfunc_end0:
.L_simem_size_0:
called_computation.1_lowered:
.L_overlay_start_0:
0x88: {  	s2 =	sld [smem:$0x3FD9]  }
0x89: {  	s3 =	sld [smem:$0x3FFE];
	_ =	sdelay $0x1  }
0x8a: {  	s1 =	srdreg.scid  }
0x8b: {  	s0 =	sand.u32 $0x1, s1  }
0x8c: {  	s14 =	sshll.u32 s0, $0xA;
	s2 =	sadd.s32 s3, s2  }
0x8d: {  	s2 =	sadd.s32 s2, s14  }
0x8e: {  	[smem:$0x3FC5] =	sst s2  }
0x8f: {  	_ = 	snop  }
0x90: {  	s2 =	sld [smem:$0x3FD0];
	_ =	sdelay $0x2  }
0x91: {  	s15 =	simm.s32 $0xA;
	s4 =	simm.s32 $0x10  }
0x92: {  	[smem:s4], [sflag:s15] =	dma.local [hbm:s2], $0x1  }
0x93: {  	_ =	swait.eq [sflag:s15], $0x1  }
0x94: {  	[sflag:s15] =	ssyncset.done $0x0  }
0x95: {  	[sflag:s15] =	ssyncadd.s32 $0xFFFFFFFF  }
0x96: {  	s16 =	sld [smem:$0x10];
	(tm) =	ssettm $0x1  }
0x97: {  	s17 =	sld [smem:$0x3FFB];
	_ =	sdelay $0x3  }
0x98: {  	_ =	strace s17  }
0x99: {  	s3 =	sld [smem:$0x3FFC];
	_ =	sdelay $0x3  }
0x9a: {  	_ =	strace s3  }
0x9b: {  	s3 =	sld [smem:$0x3FFD];
	_ =	sdelay $0x3  }
0x9c: {  	_ =	strace s3  }
0x9d: {  	_ =	strace $0x8FFFFFFF  }
0x9e: {  	s18 =	sld [smem:$0x3FDB];
	_ =	sdelay $0x1  }
0x9f: {  	s19 =	simm.s32 $_scs_section_size  }
0xa0: {  	s5 =	simm.s32 $_size__tile_overlayer_lowered;
	s6 =	simm.s32 $_tile_overlayer_lowered  }
0xa1: {  	s22 =	simm.s32 $0x1BFF;
	s21 =	sshll.u32 s6, $0x1;
	s3 =	sadd.s32 s19, s18  }
0xa2: {  	s7 =	simm.s32 $0x0;
	s20 =	sshll.u32 s5, $0x1;
	s5 =	sadd.s32 s21, s3  }
0xa3: {  	[timem:s7], [sflag:s22] =	dma.local [hbm:s5], s20  }
0xa4: {  	_ =	swait.ge [sflag:s22], s20  }
0xa5: {  	s4 =	ssub.s32 $0x0, s20;
	[sflag:s22] =	ssyncset.done $0x0  }
0xa6: {  	[sflag:s22] =	ssyncadd.s32 s4;
	_ =	sdelay $0x1  }
0xa7: {  	s23 =	simm.s32 $0x1B8B  }
0xa8: {  	_ =	swait.ge [sflag:s23], $0x1  }
0xa9: {  	[sflag:s23] =	ssyncset.done $0x0  }
0xaa: {  	s25 =	simm.s32 $0x1B8E;
	s24 =	sld [smem:$0x3FFE];
	[sflag:s23] =	ssyncadd.s32 $0xFFFFFFFF  }
0xab: {  	s26 =	simm.s32 $execute0_lowered;
	[smem:$0x3FD2] =	sst s25  }
0xac: {  	s5 =	sshll.u32 s26, $0x1;
	_ =	strace $0x80000049;
	[dreg:$0x1] =	wrdreg $0xFFFFFFFF  }
0xad: {  	s28 =	simm.s32 $_size_execute0_lowered;
	s3 =	sadd.s32 s3, s5;
	[dreg:$0x0] =	wrdreg $0x0  }
0xae: {  	s5 =	sshll.u32 s28, $0x1;
	[dreg:$0x2] =	wrdreg s3  }
0xaf: {  	[dreg:$0x3] =	wrdreg s5  }
0xb0: {  	[dreg:$0x4] =	wrdreg $0xC0  }
0xb1: {  	_ =	task [dreg:s7], $0x5FFFF  }
0xb2: {  	[dreg:$0x1] =	wrdreg $0xFFFFFFFF  }
0xb3: {  	[dreg:$0x0] =	wrdreg $0x60  }
0xb4: {  	[dreg:$0x2] =	wrdreg s16  }
0xb5: {  	[dreg:$0x3] =	wrdreg s24  }
0xb6: {  	[dreg:$0x4] =	wrdreg $0x120000  }
0xb7: {  	[dreg:$0x5] =	wrdreg $0x9  }
0xb8: {  	_ =	task.clear_ibuf [dreg:s7], $0x6FFFF;
	_ =	strace $0x90000049  }
0xb9: {  	s29 =	simm.s32 $0x9;
	_ =	strace $0x8000004B  }
0xba: {  	_ =	swait.ge [sflag:s29], $0x1  }
0xbb: {  	[sflag:s29] =	ssyncadd.s32 $0xFFFFFFFF  }
0xbc: {  	_ =	strace $0x9000004B  }
0xbd: {  	_ =	sfence  }
0xbe: {  	s30 =	sld [smem:$0x0];
	_ =	sdelay $0x2  }
0xbf: {  	s31 =	sshll.u32 s1, $0xD;
	s1 =	sshrl.u32 s1, $0x2  }
0xc0: {  	s3 =	sand.u32 $0x4000, s31;
	s1 =	sadd.s32 s1, s30  }
0xc1: {  	s0 =	sor.u32 s3, s0;
	s1 =	sshll.u32 s1, $0x11  }
0xc2: {  	s0 =	sor.u32 s1, s0  }
0xc3: {  	s0 =	sadd.s32 $0x8F2B, s0  }
0xc4: {  	[sflag:s0] =	ssyncadd.remote.s32 $0x1  }
0xc5: {  	_ =	sfence.sel $0xFFFF  }
0xc6: {  	[dreg:$0x0] =	wrdreg $0xFFFFFFFF;
	(pc) =	sbr.abs _section_cstart, $3  }
0xc7: {  	[dreg:$0x1] =	wrdreg $0xFFFFFFFF  }
0xc8: {  	_ =	task.clear_ibuf [dreg:s7], $0x2FFFF;
	_ =	strace $0x9FFFFFFF  }
0xc9: {  	(tm) =	ssettm $0x7FFFFFFF  }
tec
execute0_lowered:
.L_overlay_start_1:
0x0: {  	(tag) =	ssettag $0x1  }
0x1: {  	s1 =	rddreg [dreg:$0x0]  }
0x2: {  	s6 =	rddreg [dreg:$0x1]  }
0x3: {  	s3 =	rddreg [dreg:$0x2]  }
0x4: {  	s0 =	srdreg.scid;
	s2 =	rddreg [dreg:$0x3]  }
0x5: {  	s4 =	simm.s32 $0x0;
	s15 =	simm.s32 $0xA000;
	s16 =	simm.s32 $0x5080  }
0x6: {  	s17 =	simm.s32 $0xE000;
	s18 =	simm.s32 $0x1;
	s19 =	simm.s32 $0x3  }
0x7: {  	s20 =	simm.s32 $0x5100;
	s21 =	simm.s32 $0x2;
	s7 =	sand.u32 $0x1, s0  }
0x8: {  	s22 =	simm.s32 $0x4;
	s0 =	stileid.u32;
	s5 =	smul.u32 $0x50000, s7  }
0x9: {  	s23 =	simm.s32 $0x9E80;
	s24 =	simm.s32 $0x4E00;
	s8 =	smul.u32 $0x5000, s0  }
0xa: {  	s28 =	simm.s32 $0x0;
	[smem:$0x7FF] =	sst s4;
	s9 =	smul.u32 $0x140, s0  }
0xb: {  	s25 =	smul.u32 $0x1388, s7;
	_ =	strace $0x8000004A;
	s7 =	ssub.s32 $0x2, s7  }
0xc: {  	s30 =	sshll.u32 s0, $0x6;
	s26 =	sshrl.u32 s7, $0x1;
	s5 =	sadd.s32 s8, s5  }
0xd: {  	s10 =	smin.u32 s9, $0x1248;
	s9 =	smin.u32 s9, $0x1250;
	s13 =	ssub.s32 s7, s26  }
0xe: {  	s26 =	simm.s32 $0x4E80;
	s5 =	sshrl.u32 s5, $0x3;
	s8 =	sadd.s32 s25, s10  }
0xf: {  	s29 =	sshll.u32 s9, $0x7;
	s31 =	sshll.u32 s10, $0x7;
	s10 =	smax.u32 s13, $0x1  }
0x10: {  	s13 =	simm.s32 $0x5000;
	s11 =	sadd.s32 s5, s6;
	s5 =	sadd.s32 $0x17600, s6  }
0x11: {  	s8 =	sshll.u32 s8, $0x4;
	s14 =	sadd.s32 s29, s3;
	s25 =	sadd.s32 s31, s3  }
0x12: {  	s12 =	sadd.s32 s8, s6;
	s6 =	sor.u32 $0x1C05, s30;
	s7 =	sadd.s32 $0x3600, s11  }
0x13: {  	s8 =	sadd.s32 $0x18A00, s11;
	s11 =	sshrl.u32 s14, $0x3;
	s14 =	simm.s32 $0x80  }
0x14: {  	s25 =	sshrl.u32 s25, $0x3;
	s9 =	sadd.s32 $0x2CA00, s12;
	s12 =	simm.s32 $0x5  }
.LBB2_1:
0x15: {  	[spmem:s11], [sflag:s6] =	dma.local [hbm:s5], $0x1400  }
0x16: {  	_ =	swait.ge [sflag:s12], $0x1400  }
0x17: {  	[sflag:s12] =	ssyncset.done $0x0  }
0x18: {  	[sflag:s12] =	ssyncadd.s32 $0xFFFFEC00  }
0x19: {  	[tilespmem:s4], [sflag:$0x5] =	stream.linear.gather [hbm4b:s7+s4], $0x4F00, $0x38;
	[tilespmem:$0x1BC80] =	vst v63  }
0x1a: {  	_ =	swait.ge [sflag:s12], $0x4F00  }
0x1b: {  	[sflag:s12] =	ssyncset.done $0x0  }
0x1c: {  	[sflag:s12] =	ssyncadd.s32 $0xFFFFB100  }
0x1d: {  	[tilespmem:s13], [sflag:$0x5] =	stream.linear.gather [hbm4b:s8+s4], $0x4F00, $0x38;
	[tilespmem:$0x1BC80] =	vst v63  }
0x1e: {  	_ =	swait.ge [sflag:s12], $0x4F00  }
0x1f: {  	[sflag:s12] =	ssyncset.done $0x0  }
0x20: {  	[sflag:s12] =	ssyncadd.s32 $0xFFFFB100  }
0x21: {  	[tilespmem:s15], [sflag:$0x1] =	stream.indirect.gather [hbm4b:s1+s14], $0x80, s13, s14, $0xb8;
	[tilespmem:$0x1BC80] =	vst v63  }
0x22: {  	[bflag:$0x0] =	sbarrier.arrive $0xFFFF  }
0x23: {  	[tilespmem:s17], [sflag:$0x2] =	stream.indirect.gather [hbm4b:s1+s14], $0x80, s16, s14, $0xb8;
	[tilespmem:$0x1BC80] =	vst v63  }
0x24: {  	_ =	swait.ge [sflag:s18], $0x4000  }
0x25: {  	[sflag:s18] =	ssyncset.done $0x0  }
0x26: {  	[sflag:s18] =	ssyncadd.s32 $0xFFFFC000  }
0x27: {  	[spmem:s3] =	stream.indirect.scatter.add.f32 [tilespmem:s15], [sflag:$0x3], $0x80, s4, s14, $0xb8;
	[tilespmem:$0x1BC80] =	vst v63  }
0x28: {  	_ =	swait.ge [sflag:s19], $0x4000  }
0x29: {  	[sflag:s19] =	ssyncset.done $0x0  }
0x2a: {  	[sflag:s19] =	ssyncadd.s32 $0xFFFFC000  }
0x2b: {  	[tilespmem:s15], [sflag:$0x1] =	stream.indirect.gather [hbm4b:s1+s14], $0x80, s20, s14, $0xb8;
	[tilespmem:$0x1BC80] =	vst v63  }
0x2c: {  	_ =	swait.ge [sflag:s21], $0x4000  }
0x2d: {  	[sflag:s21] =	ssyncset.done $0x0  }
0x2e: {  	[sflag:s21] =	ssyncadd.s32 $0xFFFFC000  }
0x2f: {  	[spmem:s3] =	stream.indirect.scatter.add.f32 [tilespmem:s17], [sflag:$0x4], $0x80, s14, s14, $0xb8;
	[tilespmem:$0x1BC80] =	vst v63  }
0x30: {  	_ =	swait.ge [sflag:s22], $0x4000  }
0x31: {  	[sflag:s22] =	ssyncset.done $0x0  }
0x32: {  	s29 =	simm.s32 $0x5180;
	[sflag:s22] =	ssyncadd.s32 $0xFFFFC000  }
0x33: {  	[tilespmem:s17], [sflag:$0x2] =	stream.indirect.gather [hbm4b:s1+s14], $0x80, s29, s14, $0xb8;
	[tilespmem:$0x1BC80] =	vst v63  }
0x34: {  	_ =	swait.ge [sflag:s18], $0x4000  }
0x35: {  	[sflag:s18] =	ssyncset.done $0x0  }
0x36: {  	s29 =	simm.s32 $0x100;
	[sflag:s18] =	ssyncadd.s32 $0xFFFFC000  }
0x37: {  	[spmem:s3] =	stream.indirect.scatter.add.f32 [tilespmem:s15], [sflag:$0x3], $0x80, s29, s14, $0xb8;
	[tilespmem:$0x1BC80] =	vst v63  }
0x38: {  	_ =	swait.ge [sflag:s19], $0x4000  }
0x39: {  	[sflag:s19] =	ssyncset.done $0x0  }
0x3a: {  	s29 =	simm.s32 $0x5200;
	[sflag:s19] =	ssyncadd.s32 $0xFFFFC000  }
0x3b: {  	[tilespmem:s15], [sflag:$0x1] =	stream.indirect.gather [hbm4b:s1+s14], $0x80, s29, s14, $0xb8;
	[tilespmem:$0x1BC80] =	vst v63  }
0x3c: {  	_ =	swait.ge [sflag:s21], $0x4000  }
0x3d: {  	[sflag:s21] =	ssyncset.done $0x0  }
0x3e: {  	s30 =	simm.s32 $0x180;
	s29 =	simm.s32 $0xFFFED000;
	[sflag:s21] =	ssyncadd.s32 $0xFFFFC000  }
.LBB2_2:
0x3f: {  	[spmem:s3] =	stream.indirect.scatter.add.f32 [tilespmem:s17], [sflag:$0x4], $0x80, s30, s14, $0xb8;
	[tilespmem:$0x1BC80] =	vst v63  }
0x40: {  	s30 =	smov.u32 s29  }
0x41: {  	p0 =	sne.s32 s29, $0xFFFFFC00;
	s29 =	sadd.s32 $0x400, s29;
	_ =	swait.ge [sflag:s22], $0x4000  }
0x42: {  	s30 =	sshra.s32 s30, $0x2;
	[sflag:s22] =	ssyncset.done $0x0  }
0x43: {  	s31 =	sadd.s32 $0x9E80, s30;
	[sflag:s22] =	ssyncadd.s32 $0xFFFFC000  }
0x44: {  	[tilespmem:s17], [sflag:$0x2] =	stream.indirect.gather [hbm4b:s1+s14], $0x80, s31, s14, $0xb8;
	[tilespmem:$0x1BC80] =	vst v63  }
0x45: {  	_ =	swait.ge [sflag:s18], $0x4000  }
0x46: {  	[sflag:s18] =	ssyncset.done $0x0  }
0x47: {  	s31 =	sadd.s32 $0x4E00, s30;
	[sflag:s18] =	ssyncadd.s32 $0xFFFFC000  }
0x48: {  	[spmem:s3] =	stream.indirect.scatter.add.f32 [tilespmem:s15], [sflag:$0x3], $0x80, s31, s14, $0xb8;
	[tilespmem:$0x1BC80] =	vst v63  }
0x49: {  	_ =	swait.ge [sflag:s19], $0x4000  }
0x4a: {  	[sflag:s19] =	ssyncset.done $0x0  }
.Ltmp0:
0x4b: {  	s31 =	sadd.s32 $0x9F00, s30;
	[sflag:s19] =	ssyncadd.s32 $0xFFFFC000;
	(pc) =	sbr.rel @p0 .LBB2_2-.Ltmp0, $4  }
0x4c: {  	[tilespmem:s15], [sflag:$0x1] =	stream.indirect.gather [hbm4b:s1+s14], $0x80, s31, s14, $0xb8;
	[tilespmem:$0x1BC80] =	vst v63  }
0x4d: {  	_ =	swait.ge [sflag:s21], $0x4000  }
0x4e: {  	[sflag:s21] =	ssyncset.done $0x0  }
0x4f: {  	s30 =	sadd.s32 $0x4E80, s30;
	[sflag:s21] =	ssyncadd.s32 $0xFFFFC000  }
0x50: {  	[spmem:s3] =	stream.indirect.scatter.add.f32 [tilespmem:s17], [sflag:$0x4], $0x80, s30, s14, $0xb8;
	[tilespmem:$0x1BC80] =	vst v63  }
0x51: {  	_ =	swait.ge [sflag:s22], $0x4000  }
0x52: {  	[sflag:s22] =	ssyncset.done $0x0  }
0x53: {  	[sflag:s22] =	ssyncadd.s32 $0xFFFFC000  }
0x54: {  	[tilespmem:s17], [sflag:$0x2] =	stream.indirect.gather [hbm4b:s1+s14], $0x80, s23, s14, $0xb8;
	[tilespmem:$0x1BC80] =	vst v63  }
0x55: {  	_ =	swait.ge [sflag:s18], $0x4000  }
0x56: {  	[sflag:s18] =	ssyncset.done $0x0  }
0x57: {  	[sflag:s18] =	ssyncadd.s32 $0xFFFFC000  }
0x58: {  	[spmem:s3] =	stream.indirect.scatter.add.f32 [tilespmem:s15], [sflag:$0x3], $0x80, s24, s14, $0xb8;
	[tilespmem:$0x1BC80] =	vst v63  }
0x59: {  	_ =	swait.ge [sflag:s19], $0x4000  }
0x5a: {  	[sflag:s19] =	ssyncset.done $0x0  }
0x5b: {  	[sflag:s19] =	ssyncadd.s32 $0xFFFFC000  }
0x5c: {  	_ =	swait.ge [sflag:s21], $0x4000  }
0x5d: {  	[sflag:s21] =	ssyncset.done $0x0  }
0x5e: {  	[sflag:s21] =	ssyncadd.s32 $0xFFFFC000  }
0x5f: {  	[spmem:s3] =	stream.indirect.scatter.add.f32 [tilespmem:s17], [sflag:$0x4], $0x80, s26, s14, $0xb8;
	[tilespmem:$0x1BC80] =	vst v63  }
0x60: {  	_ =	swait.ge [sflag:s22], $0x4000  }
0x61: {  	s28 =	sadd.s32 $0x1, s28;
	[sflag:s22] =	ssyncset.done $0x0  }
0x62: {  	p0 =	sne.s32 s28, s10;
	[sflag:s22] =	ssyncadd.s32 $0xFFFFC000  }
.Ltmp1:
0x63: {  	[bflag:$0x0] =	sbarrier.arrive $0xFFFF;
	(pc) =	sbr.rel @p0 .LBB2_1-.Ltmp1, $4  }
0x64: {  	[hbm:s9], [sflag:s6] =	dma.local [spmem:s25], $0x1400  }
0x65: {  	_ =	swait.ge [sflag:s12], $0x1400  }
0x66: {  	[sflag:s12] =	ssyncset.done $0x0  }
0x67: {  	[sflag:s12] =	ssyncadd.s32 $0xFFFFEC00  }
0x68: {  	_ =	sfence.sel $0x180000  }
0x69: {  	[bflag:$0x0] =	sbarrier.arrive $0xFFFF  }
0x6a: {  	p0 =	sne.s32 s0, $0x0;
	_ =	strace $0x9000004A  }
0x6b: {  	s0 =	sadd.s32 @!p0 $0x100000, s2;
	[bflag:$0x2] =	sbarrier.arrive $0xFFFF  }
0x6c: {  	[sflag:s0] =	ssyncadd.tile.s32 @!p0 $0x1;
	_ =	shalt  }
.Lfunc_end2:
_tile_overlayer_lowered:
.L_overlay_start_2:
0x6d: {  	(tag) =	ssettag $0x2  }
0x6e: {  	s0 =	rddreg [dreg:$0x0];
	s2 =	stileid.u32  }
0x6f: {  	s1 =	rddreg [dreg:$0x1];
	p0 =	sne.s32 s2, $0x0  }
0x70: {  	s3 =	rddreg [dreg:$0x2];
	[bflag:$0x3] =	sbarrier.arrive $0xFFFF;
	s2 =	simm.s32 @!p0 $0x1C05  }
0x71: {  	[timem:s3], [sflag:s2] =	dma.local @!p0 [hbm:s0], s1  }
0x72: {  	s0 =	simm.s32 @!p0 $0x5  }
0x73: {  	_ =	swait.ge @!p0 [sflag:s0], s1  }
0x74: {  	s1 =	ssub.s32 @!p0 $0x0, s1;
	[sflag:s0] =	ssyncset.done @!p0 $0x0  }
0x75: {  	[sflag:s0] =	ssyncadd.s32 @!p0 s1  }
0x76: {  	[bflag:$0x3] =	sbarrier.arrive $0xFFFF  }
0x77: {  	_ =	shalt  }

// kernel: kernel.16.cloned.1.call-start
scs
__scs_entry_jumppad:
0x0: {  	(pc) =	sbr.rel $0x88, $3  }
0x1: {  	(tag) =	ssettag $0x0;
	lr =	simm.s32 $0x1  }
0x2: {  	[smem:$0x3F9E] =	sst lr;
	_ =	strace $0xD0000000  }
0x3: {  	_ = 	snop  }
0x4: {  	_ = 	snop  }
0x5: {  	_ = 	snop  }
0x6: {  	_ = 	snop  }
0x7: {  	_ = 	snop  }
__scs_overlays_trampoline_lowered:
0x8: {  	[smem:$0x3FAD] =	sst s0  }
0x9: {  	[smem:$0x3FAE] =	sst s1  }
0xa: {  	[smem:$0x3FAF] =	sst s2  }
0xb: {  	[smem:$0x3FB0] =	sst s3  }
0xc: {  	[smem:$0x3FB1] =	sst s4  }
0xd: {  	[smem:$0x3FB2] =	sst s5  }
0xe: {  	[smem:$0x3FB3] =	sst s6  }
0xf: {  	[smem:$0x3FB4] =	sst s7  }
0x10: {  	[smem:$0x3FB5] =	sst s8  }
0x11: {  	[smem:$0x3FB6] =	sst s9;
	s0 =	simm.s32 @!p0 $0x0  }
0x12: {  	s1 =	sld [smem:$0x3F9C];
	s0 =	simm.s32 @p0 $0x1  }
0x13: {  	[smem:$0x3FB7] =	sst s0;
	s0 =	simm.s32 @!p1 $0x0  }
0x14: {  	s2 =	sld [smem:$0x3F9B];
	s0 =	simm.s32 @p1 $0x1  }
0x15: {  	[smem:$0x3FB8] =	sst s0;
	s0 =	simm.s32 @!p2 $0x0  }
0x16: {  	s3 =	sld [smem:$0x3FDB];
	s0 =	simm.s32 @p2 $0x1  }
0x17: {  	s4 =	simm.s32 $0x1BF5;
	[smem:$0x3FBA] =	sst s0  }
0x18: {  	s0 =	sld [smem:$0x3F9D];
	_ =	swait.ge [sflag:s4], $0x0  }
0x19: {  	s7 =	sld [smem:$0x3F9E]  }
0x1a: {  	s8 =	sadd.s32 $0xFFFFE003, lr  }
0x1b: {  	s9 =	sadd.s32 $0xFFFFFEF7, lr;
	s5 =	simm.s32 $0xFFFFFFFF;
	p2 =	slt.u32 s8, $0xFFFFF086  }
0x1c: {  	p1 =	slt.u32 s9, $0xF7A;
	s5 =	simm.s32 @!p2 $0x0  }
0x1d: {  	s5 =	simm.s32 @p1 $0x1;
	p0 =	seq.s32 s7, s2  }
0x1e: {  	s7 =	smul.u32 @!p0 $0xF7A, s2;
	p2 =	seq.s32 @!p0 s5, $0x0  }
0x1f: {  	s9 =	smul.u32 $0xF7A, s1;
	s8 =	simm.s32 @!p0 $0x1BF5;
	p2 =	por !p2, p0  }
0x20: {  	[sflag:s8] =	ssyncset.s32 @!p0 $0xFFFFF086;
	s6 =	sadd.s32 @!p0 s3, s7;
	s7 =	simm.s32 @!p0 $0x108  }
0x21: {  	s3 =	sadd.s32 s3, s9;
	s6 =	sadd.s32 @!p0 $0x88, s6;
	s7 =	simm.s32 @p2 $0x1082  }
0x22: {  	[simem:s7], [sflag:s8] =	dma.local @!p0 [hbm:s6], $0xF7A  }
0x23: {  	s9 =	sor.u32 $0xD0000000, s2;
	s6 =	simm.s32 $0x108;
	_ =	swait.ge @!p0 [sflag:s8], $0x0  }
0x24: {  	s3 =	sadd.s32 $0x88, s3;
	s6 =	simm.s32 @!p1 $0x1082;
	[sflag:s4] =	ssyncset.s32 $0xFFFFF086  }
0x25: {  	[simem:s6], [sflag:s4] =	dma.local [hbm:s3], $0xF7A  }
0x26: {  	[smem:$0x3F9E] =	sst s1;
	(tag) =	ssettag s2;
	_ =	strace s9  }
0x27: {  	s1 =	sld [smem:$0x3FAE]  }
0x28: {  	s2 =	sld [smem:$0x3FAF]  }
0x29: {  	s4 =	sld [smem:$0x3FB1]  }
0x2a: {  	p0 =	seq.s32 s5, $0x0;
	s5 =	sld [smem:$0x3FB2]  }
0x2b: {  	s6 =	sld [smem:$0x3FB3]  }
0x2c: {  	s7 =	sld [smem:$0x3FB4]  }
0x2d: {  	s3 =	simm.s32 $0x108;
	s8 =	sld [smem:$0x3FB5]  }
0x2e: {  	s3 =	simm.s32 @!p0 $0x1082;
	s9 =	sld [smem:$0x3FB6]  }
0x2f: {  	lr =	sadd.s32 s0, s3;
	s0 =	sld [smem:$0x3FAD]  }
0x30: {  	s3 =	sld [smem:$0x3FB0]  }
0x31: {  	[smem:$0x3FB9] =	sst s10  }
0x32: {  	s10 =	sld [smem:$0x3FB7];
	_ =	sdelay $0x3  }
0x33: {  	p0 =	seq.s32 s10, $0x1;
	s10 =	sld [smem:$0x3FB9];
	_ =	sdelay $0x3  }
0x34: {  	[smem:$0x3FB9] =	sst s10  }
0x35: {  	s10 =	sld [smem:$0x3FB8];
	_ =	sdelay $0x3  }
0x36: {  	p1 =	seq.s32 s10, $0x1;
	s10 =	sld [smem:$0x3FB9];
	_ =	sdelay $0x3  }
0x37: {  	[smem:$0x3FB9] =	sst s10  }
0x38: {  	s10 =	sld [smem:$0x3FBA]  }
0x39: {  	_ = 	snop;
	(pc) =	sbr.ind lr, $3  }
0x3a: {  	_ = 	snop  }
0x3b: {  	_ = 	snop  }
0x3c: {  	p2 =	seq.s32 s10, $0x1;
	s10 =	sld [smem:$0x3FB9]  }
0x3d: {  	_ =	shalt  }
0x3e: {  	_ =	shalt  }
0x3f: {  	_ =	shalt  }
0x40: {  	_ =	shalt  }
0x41: {  	_ =	shalt  }
0x42: {  	_ =	shalt  }
0x43: {  	_ =	shalt  }
0x44: {  	_ =	shalt  }
0x45: {  	_ =	shalt  }
0x46: {  	_ =	shalt  }
0x47: {  	_ =	shalt  }
0x48: {  	_ =	shalt  }
0x49: {  	_ =	shalt  }
0x4a: {  	_ =	shalt  }
0x4b: {  	_ =	shalt  }
0x4c: {  	_ =	shalt  }
0x4d: {  	_ =	shalt  }
0x4e: {  	_ =	shalt  }
0x4f: {  	_ =	shalt  }
0x50: {  	_ =	shalt  }
0x51: {  	_ =	shalt  }
0x52: {  	_ =	shalt  }
0x53: {  	_ =	shalt  }
0x54: {  	_ =	shalt  }
0x55: {  	_ =	shalt  }
0x56: {  	_ =	shalt  }
0x57: {  	_ =	shalt  }
0x58: {  	_ =	shalt  }
0x59: {  	_ =	shalt  }
0x5a: {  	_ =	shalt  }
0x5b: {  	_ =	shalt  }
0x5c: {  	_ =	shalt  }
0x5d: {  	_ =	shalt  }
0x5e: {  	_ =	shalt  }
0x5f: {  	_ =	shalt  }
0x60: {  	_ =	shalt  }
0x61: {  	_ =	shalt  }
0x62: {  	_ =	shalt  }
0x63: {  	_ =	shalt  }
0x64: {  	_ =	shalt  }
0x65: {  	_ =	shalt  }
0x66: {  	_ =	shalt  }
0x67: {  	_ =	shalt  }
0x68: {  	_ =	shalt  }
0x69: {  	_ =	shalt  }
0x6a: {  	_ =	shalt  }
0x6b: {  	_ =	shalt  }
0x6c: {  	_ =	shalt  }
0x6d: {  	_ =	shalt  }
0x6e: {  	_ =	shalt  }
0x6f: {  	_ =	shalt  }
0x70: {  	_ =	shalt  }
0x71: {  	_ =	shalt  }
0x72: {  	_ =	shalt  }
0x73: {  	_ =	shalt  }
0x74: {  	_ =	shalt  }
0x75: {  	_ =	shalt  }
0x76: {  	_ =	shalt  }
0x77: {  	_ =	shalt  }
0x78: {  	_ =	shalt  }
0x79: {  	_ =	shalt  }
0x7a: {  	_ =	shalt  }
0x7b: {  	_ =	shalt  }
0x7c: {  	_ =	shalt  }
0x7d: {  	_ =	shalt  }
0x7e: {  	_ =	shalt  }
0x7f: {  	_ =	shalt  }
0x80: {  	_ =	shalt  }
0x81: {  	_ =	shalt  }
0x82: {  	_ =	shalt  }
0x83: {  	_ =	shalt  }
0x84: {  	_ =	shalt  }
0x85: {  	_ =	shalt  }
0x86: {  	_ =	shalt  }
0x87: {  	_ =	shalt  }
.Lfunc_end0:
.L_simem_size_0:
called_computation.2_lowered:
.L_overlay_start_0:
0x88: {  	s2 =	sld [smem:$0x3FD9]  }
0x89: {  	s3 =	sld [smem:$0x3FFE];
	_ =	sdelay $0x1  }
0x8a: {  	s1 =	srdreg.scid  }
0x8b: {  	s0 =	sand.u32 $0x1, s1  }
0x8c: {  	s14 =	sshll.u32 s0, $0xA;
	s2 =	sadd.s32 s3, s2  }
0x8d: {  	s2 =	sadd.s32 s2, s14  }
0x8e: {  	[smem:$0x3FC5] =	sst s2  }
0x8f: {  	_ = 	snop  }
0x90: {  	s2 =	sld [smem:$0x3FD0];
	_ =	sdelay $0x2  }
0x91: {  	s15 =	simm.s32 $0xA;
	s4 =	simm.s32 $0x10  }
0x92: {  	[smem:s4], [sflag:s15] =	dma.local [hbm:s2], $0x1  }
0x93: {  	_ =	swait.eq [sflag:s15], $0x1  }
0x94: {  	[sflag:s15] =	ssyncset.done $0x0  }
0x95: {  	[sflag:s15] =	ssyncadd.s32 $0xFFFFFFFF  }
0x96: {  	s16 =	sld [smem:$0x10];
	(tm) =	ssettm $0x1  }
0x97: {  	s17 =	sld [smem:$0x3FFB];
	_ =	sdelay $0x3  }
0x98: {  	_ =	strace s17  }
0x99: {  	s3 =	sld [smem:$0x3FFC];
	_ =	sdelay $0x3  }
0x9a: {  	_ =	strace s3  }
0x9b: {  	s3 =	sld [smem:$0x3FFD];
	_ =	sdelay $0x3  }
0x9c: {  	_ =	strace s3  }
0x9d: {  	_ =	strace $0x8FFFFFFF  }
0x9e: {  	s18 =	sld [smem:$0x3FDB];
	_ =	sdelay $0x1  }
0x9f: {  	s19 =	simm.s32 $_scs_section_size  }
0xa0: {  	s5 =	simm.s32 $_size__tile_overlayer_lowered;
	s6 =	simm.s32 $_tile_overlayer_lowered  }
0xa1: {  	s22 =	simm.s32 $0x1BFF;
	s21 =	sshll.u32 s6, $0x1;
	s3 =	sadd.s32 s19, s18  }
0xa2: {  	s7 =	simm.s32 $0x0;
	s20 =	sshll.u32 s5, $0x1;
	s5 =	sadd.s32 s21, s3  }
0xa3: {  	[timem:s7], [sflag:s22] =	dma.local [hbm:s5], s20  }
0xa4: {  	_ =	swait.ge [sflag:s22], s20  }
0xa5: {  	s4 =	ssub.s32 $0x0, s20;
	[sflag:s22] =	ssyncset.done $0x0  }
0xa6: {  	[sflag:s22] =	ssyncadd.s32 s4;
	_ =	sdelay $0x1  }
0xa7: {  	s23 =	simm.s32 $0x1B8B  }
0xa8: {  	_ =	swait.ge [sflag:s23], $0x1  }
0xa9: {  	[sflag:s23] =	ssyncset.done $0x0  }
0xaa: {  	s25 =	simm.s32 $0x1B8E;
	s24 =	sld [smem:$0x3FFE];
	[sflag:s23] =	ssyncadd.s32 $0xFFFFFFFF  }
0xab: {  	s26 =	simm.s32 $execute0_lowered;
	[smem:$0x3FD2] =	sst s25  }
0xac: {  	s5 =	sshll.u32 s26, $0x1;
	_ =	strace $0x8000004C;
	[dreg:$0x1] =	wrdreg $0xFFFFFFFF  }
0xad: {  	s28 =	simm.s32 $_size_execute0_lowered;
	s3 =	sadd.s32 s3, s5;
	[dreg:$0x0] =	wrdreg $0x0  }
0xae: {  	s5 =	sshll.u32 s28, $0x1;
	[dreg:$0x2] =	wrdreg s3  }
0xaf: {  	[dreg:$0x3] =	wrdreg s5  }
0xb0: {  	[dreg:$0x4] =	wrdreg $0xC0  }
0xb1: {  	_ =	task [dreg:s7], $0x5FFFF  }
0xb2: {  	[dreg:$0x1] =	wrdreg $0xFFFFFFFF  }
0xb3: {  	[dreg:$0x0] =	wrdreg $0x60  }
0xb4: {  	[dreg:$0x2] =	wrdreg s16  }
0xb5: {  	[dreg:$0x3] =	wrdreg s24  }
0xb6: {  	[dreg:$0x4] =	wrdreg $0x120000  }
0xb7: {  	[dreg:$0x5] =	wrdreg $0x9  }
0xb8: {  	_ =	task.clear_ibuf [dreg:s7], $0x6FFFF;
	_ =	strace $0x9000004C  }
0xb9: {  	s29 =	simm.s32 $0x9;
	_ =	strace $0x8000004E  }
0xba: {  	_ =	swait.ge [sflag:s29], $0x1  }
0xbb: {  	[sflag:s29] =	ssyncadd.s32 $0xFFFFFFFF  }
0xbc: {  	_ =	strace $0x9000004E  }
0xbd: {  	_ =	sfence  }
0xbe: {  	s30 =	sld [smem:$0x0];
	_ =	sdelay $0x2  }
0xbf: {  	s31 =	sshll.u32 s1, $0xD;
	s1 =	sshrl.u32 s1, $0x2  }
0xc0: {  	s3 =	sand.u32 $0x4000, s31;
	s1 =	sadd.s32 s1, s30  }
0xc1: {  	s0 =	sor.u32 s3, s0;
	s1 =	sshll.u32 s1, $0x11  }
0xc2: {  	s0 =	sor.u32 s1, s0  }
0xc3: {  	s0 =	sadd.s32 $0x8F2B, s0  }
0xc4: {  	[sflag:s0] =	ssyncadd.remote.s32 $0x1  }
0xc5: {  	_ =	sfence.sel $0xFFFF  }
0xc6: {  	[dreg:$0x0] =	wrdreg $0xFFFFFFFF;
	(pc) =	sbr.abs _section_cstart, $3  }
0xc7: {  	[dreg:$0x1] =	wrdreg $0xFFFFFFFF  }
0xc8: {  	_ =	task.clear_ibuf [dreg:s7], $0x2FFFF;
	_ =	strace $0x9FFFFFFF  }
0xc9: {  	(tm) =	ssettm $0x7FFFFFFF  }
tec
execute0_lowered:
.L_overlay_start_1:
0x0: {  	(tag) =	ssettag $0x1  }
0x1: {  	s1 =	rddreg [dreg:$0x0]  }
0x2: {  	s6 =	rddreg [dreg:$0x1]  }
0x3: {  	s3 =	rddreg [dreg:$0x2]  }
0x4: {  	s0 =	srdreg.scid;
	s2 =	rddreg [dreg:$0x3]  }
0x5: {  	s4 =	simm.s32 $0x0;
	s15 =	simm.s32 $0xA000;
	s16 =	simm.s32 $0x5080  }
0x6: {  	s17 =	simm.s32 $0xE000;
	s18 =	simm.s32 $0x1;
	s19 =	simm.s32 $0x3  }
0x7: {  	s20 =	simm.s32 $0x5100;
	s21 =	simm.s32 $0x2;
	s7 =	sand.u32 $0x1, s0  }
0x8: {  	s22 =	simm.s32 $0x4;
	s0 =	stileid.u32;
	s5 =	smul.u32 $0x50000, s7  }
0x9: {  	s23 =	simm.s32 $0x9E80;
	s24 =	simm.s32 $0x4E00;
	s8 =	smul.u32 $0x5000, s0  }
0xa: {  	s28 =	simm.s32 $0x0;
	[smem:$0x7FF] =	sst s4;
	s9 =	smul.u32 $0x140, s0  }
0xb: {  	s25 =	smul.u32 $0x1388, s7;
	_ =	strace $0x8000004D;
	s7 =	ssub.s32 $0x2, s7  }
0xc: {  	s30 =	sshll.u32 s0, $0x6;
	s26 =	sshrl.u32 s7, $0x1;
	s5 =	sadd.s32 s8, s5  }
0xd: {  	s10 =	smin.u32 s9, $0x1248;
	s9 =	smin.u32 s9, $0x1250;
	s13 =	ssub.s32 s7, s26  }
0xe: {  	s26 =	simm.s32 $0x4E80;
	s5 =	sshrl.u32 s5, $0x3;
	s8 =	sadd.s32 s25, s10  }
0xf: {  	s29 =	sshll.u32 s9, $0x7;
	s31 =	sshll.u32 s10, $0x7;
	s10 =	smax.u32 s13, $0x1  }
0x10: {  	s13 =	simm.s32 $0x5000;
	s11 =	sadd.s32 s5, s6;
	s5 =	sadd.s32 $0x17600, s6  }
0x11: {  	s8 =	sshll.u32 s8, $0x4;
	s14 =	sadd.s32 s29, s3;
	s25 =	sadd.s32 s31, s3  }
0x12: {  	s12 =	sadd.s32 s8, s6;
	s6 =	sor.u32 $0x1C05, s30;
	s7 =	sadd.s32 $0x3600, s11  }
0x13: {  	s8 =	sadd.s32 $0x18A00, s11;
	s11 =	sshrl.u32 s14, $0x3;
	s14 =	simm.s32 $0x80  }
0x14: {  	s25 =	sshrl.u32 s25, $0x3;
	s9 =	sadd.s32 $0x53C00, s12;
	s12 =	simm.s32 $0x5  }
.LBB2_1:
0x15: {  	[spmem:s11], [sflag:s6] =	dma.local [hbm:s5], $0x1400  }
0x16: {  	_ =	swait.ge [sflag:s12], $0x1400  }
0x17: {  	[sflag:s12] =	ssyncset.done $0x0  }
0x18: {  	[sflag:s12] =	ssyncadd.s32 $0xFFFFEC00  }
0x19: {  	[tilespmem:s4], [sflag:$0x5] =	stream.linear.gather [hbm4b:s7+s4], $0x4F00, $0x38;
	[tilespmem:$0x1BC80] =	vst v63  }
0x1a: {  	_ =	swait.ge [sflag:s12], $0x4F00  }
0x1b: {  	[sflag:s12] =	ssyncset.done $0x0  }
0x1c: {  	[sflag:s12] =	ssyncadd.s32 $0xFFFFB100  }
0x1d: {  	[tilespmem:s13], [sflag:$0x5] =	stream.linear.gather [hbm4b:s8+s4], $0x4F00, $0x38;
	[tilespmem:$0x1BC80] =	vst v63  }
0x1e: {  	_ =	swait.ge [sflag:s12], $0x4F00  }
0x1f: {  	[sflag:s12] =	ssyncset.done $0x0  }
0x20: {  	[sflag:s12] =	ssyncadd.s32 $0xFFFFB100  }
0x21: {  	[tilespmem:s15], [sflag:$0x1] =	stream.indirect.gather [hbm4b:s1+s14], $0x80, s13, s14, $0xb8;
	[tilespmem:$0x1BC80] =	vst v63  }
0x22: {  	[bflag:$0x0] =	sbarrier.arrive $0xFFFF  }
0x23: {  	[tilespmem:s17], [sflag:$0x2] =	stream.indirect.gather [hbm4b:s1+s14], $0x80, s16, s14, $0xb8;
	[tilespmem:$0x1BC80] =	vst v63  }
0x24: {  	_ =	swait.ge [sflag:s18], $0x4000  }
0x25: {  	[sflag:s18] =	ssyncset.done $0x0  }
0x26: {  	[sflag:s18] =	ssyncadd.s32 $0xFFFFC000  }
0x27: {  	[spmem:s3] =	stream.indirect.scatter.add.f32 [tilespmem:s15], [sflag:$0x3], $0x80, s4, s14, $0xb8;
	[tilespmem:$0x1BC80] =	vst v63  }
0x28: {  	_ =	swait.ge [sflag:s19], $0x4000  }
0x29: {  	[sflag:s19] =	ssyncset.done $0x0  }
0x2a: {  	[sflag:s19] =	ssyncadd.s32 $0xFFFFC000  }
0x2b: {  	[tilespmem:s15], [sflag:$0x1] =	stream.indirect.gather [hbm4b:s1+s14], $0x80, s20, s14, $0xb8;
	[tilespmem:$0x1BC80] =	vst v63  }
0x2c: {  	_ =	swait.ge [sflag:s21], $0x4000  }
0x2d: {  	[sflag:s21] =	ssyncset.done $0x0  }
0x2e: {  	[sflag:s21] =	ssyncadd.s32 $0xFFFFC000  }
0x2f: {  	[spmem:s3] =	stream.indirect.scatter.add.f32 [tilespmem:s17], [sflag:$0x4], $0x80, s14, s14, $0xb8;
	[tilespmem:$0x1BC80] =	vst v63  }
0x30: {  	_ =	swait.ge [sflag:s22], $0x4000  }
0x31: {  	[sflag:s22] =	ssyncset.done $0x0  }
0x32: {  	s29 =	simm.s32 $0x5180;
	[sflag:s22] =	ssyncadd.s32 $0xFFFFC000  }
0x33: {  	[tilespmem:s17], [sflag:$0x2] =	stream.indirect.gather [hbm4b:s1+s14], $0x80, s29, s14, $0xb8;
	[tilespmem:$0x1BC80] =	vst v63  }
0x34: {  	_ =	swait.ge [sflag:s18], $0x4000  }
0x35: {  	[sflag:s18] =	ssyncset.done $0x0  }
0x36: {  	s29 =	simm.s32 $0x100;
	[sflag:s18] =	ssyncadd.s32 $0xFFFFC000  }
0x37: {  	[spmem:s3] =	stream.indirect.scatter.add.f32 [tilespmem:s15], [sflag:$0x3], $0x80, s29, s14, $0xb8;
	[tilespmem:$0x1BC80] =	vst v63  }
0x38: {  	_ =	swait.ge [sflag:s19], $0x4000  }
0x39: {  	[sflag:s19] =	ssyncset.done $0x0  }
0x3a: {  	s29 =	simm.s32 $0x5200;
	[sflag:s19] =	ssyncadd.s32 $0xFFFFC000  }
0x3b: {  	[tilespmem:s15], [sflag:$0x1] =	stream.indirect.gather [hbm4b:s1+s14], $0x80, s29, s14, $0xb8;
	[tilespmem:$0x1BC80] =	vst v63  }
0x3c: {  	_ =	swait.ge [sflag:s21], $0x4000  }
0x3d: {  	[sflag:s21] =	ssyncset.done $0x0  }
0x3e: {  	s30 =	simm.s32 $0x180;
	s29 =	simm.s32 $0xFFFED000;
	[sflag:s21] =	ssyncadd.s32 $0xFFFFC000  }
.LBB2_2:
0x3f: {  	[spmem:s3] =	stream.indirect.scatter.add.f32 [tilespmem:s17], [sflag:$0x4], $0x80, s30, s14, $0xb8;
	[tilespmem:$0x1BC80] =	vst v63  }
0x40: {  	s30 =	smov.u32 s29  }
0x41: {  	p0 =	sne.s32 s29, $0xFFFFFC00;
	s29 =	sadd.s32 $0x400, s29;
	_ =	swait.ge [sflag:s22], $0x4000  }
0x42: {  	s30 =	sshra.s32 s30, $0x2;
	[sflag:s22] =	ssyncset.done $0x0  }
0x43: {  	s31 =	sadd.s32 $0x9E80, s30;
	[sflag:s22] =	ssyncadd.s32 $0xFFFFC000  }
0x44: {  	[tilespmem:s17], [sflag:$0x2] =	stream.indirect.gather [hbm4b:s1+s14], $0x80, s31, s14, $0xb8;
	[tilespmem:$0x1BC80] =	vst v63  }
0x45: {  	_ =	swait.ge [sflag:s18], $0x4000  }
0x46: {  	[sflag:s18] =	ssyncset.done $0x0  }
0x47: {  	s31 =	sadd.s32 $0x4E00, s30;
	[sflag:s18] =	ssyncadd.s32 $0xFFFFC000  }
0x48: {  	[spmem:s3] =	stream.indirect.scatter.add.f32 [tilespmem:s15], [sflag:$0x3], $0x80, s31, s14, $0xb8;
	[tilespmem:$0x1BC80] =	vst v63  }
0x49: {  	_ =	swait.ge [sflag:s19], $0x4000  }
0x4a: {  	[sflag:s19] =	ssyncset.done $0x0  }
.Ltmp0:
0x4b: {  	s31 =	sadd.s32 $0x9F00, s30;
	[sflag:s19] =	ssyncadd.s32 $0xFFFFC000;
	(pc) =	sbr.rel @p0 .LBB2_2-.Ltmp0, $4  }
0x4c: {  	[tilespmem:s15], [sflag:$0x1] =	stream.indirect.gather [hbm4b:s1+s14], $0x80, s31, s14, $0xb8;
	[tilespmem:$0x1BC80] =	vst v63  }
0x4d: {  	_ =	swait.ge [sflag:s21], $0x4000  }
0x4e: {  	[sflag:s21] =	ssyncset.done $0x0  }
0x4f: {  	s30 =	sadd.s32 $0x4E80, s30;
	[sflag:s21] =	ssyncadd.s32 $0xFFFFC000  }
0x50: {  	[spmem:s3] =	stream.indirect.scatter.add.f32 [tilespmem:s17], [sflag:$0x4], $0x80, s30, s14, $0xb8;
	[tilespmem:$0x1BC80] =	vst v63  }
0x51: {  	_ =	swait.ge [sflag:s22], $0x4000  }
0x52: {  	[sflag:s22] =	ssyncset.done $0x0  }
0x53: {  	[sflag:s22] =	ssyncadd.s32 $0xFFFFC000  }
0x54: {  	[tilespmem:s17], [sflag:$0x2] =	stream.indirect.gather [hbm4b:s1+s14], $0x80, s23, s14, $0xb8;
	[tilespmem:$0x1BC80] =	vst v63  }
0x55: {  	_ =	swait.ge [sflag:s18], $0x4000  }
0x56: {  	[sflag:s18] =	ssyncset.done $0x0  }
0x57: {  	[sflag:s18] =	ssyncadd.s32 $0xFFFFC000  }
0x58: {  	[spmem:s3] =	stream.indirect.scatter.add.f32 [tilespmem:s15], [sflag:$0x3], $0x80, s24, s14, $0xb8;
	[tilespmem:$0x1BC80] =	vst v63  }
0x59: {  	_ =	swait.ge [sflag:s19], $0x4000  }
0x5a: {  	[sflag:s19] =	ssyncset.done $0x0  }
0x5b: {  	[sflag:s19] =	ssyncadd.s32 $0xFFFFC000  }
0x5c: {  	_ =	swait.ge [sflag:s21], $0x4000  }
0x5d: {  	[sflag:s21] =	ssyncset.done $0x0  }
0x5e: {  	[sflag:s21] =	ssyncadd.s32 $0xFFFFC000  }
0x5f: {  	[spmem:s3] =	stream.indirect.scatter.add.f32 [tilespmem:s17], [sflag:$0x4], $0x80, s26, s14, $0xb8;
	[tilespmem:$0x1BC80] =	vst v63  }
0x60: {  	_ =	swait.ge [sflag:s22], $0x4000  }
0x61: {  	s28 =	sadd.s32 $0x1, s28;
	[sflag:s22] =	ssyncset.done $0x0  }
0x62: {  	p0 =	sne.s32 s28, s10;
	[sflag:s22] =	ssyncadd.s32 $0xFFFFC000  }
.Ltmp1:
0x63: {  	[bflag:$0x0] =	sbarrier.arrive $0xFFFF;
	(pc) =	sbr.rel @p0 .LBB2_1-.Ltmp1, $4  }
0x64: {  	[hbm:s9], [sflag:s6] =	dma.local [spmem:s25], $0x1400  }
0x65: {  	_ =	swait.ge [sflag:s12], $0x1400  }
0x66: {  	[sflag:s12] =	ssyncset.done $0x0  }
0x67: {  	[sflag:s12] =	ssyncadd.s32 $0xFFFFEC00  }
0x68: {  	_ =	sfence.sel $0x180000  }
0x69: {  	[bflag:$0x0] =	sbarrier.arrive $0xFFFF  }
0x6a: {  	p0 =	sne.s32 s0, $0x0;
	_ =	strace $0x9000004D  }
0x6b: {  	s0 =	sadd.s32 @!p0 $0x100000, s2;
	[bflag:$0x2] =	sbarrier.arrive $0xFFFF  }
0x6c: {  	[sflag:s0] =	ssyncadd.tile.s32 @!p0 $0x1;
	_ =	shalt  }
.Lfunc_end2:
_tile_overlayer_lowered:
.L_overlay_start_2:
0x6d: {  	(tag) =	ssettag $0x2  }
0x6e: {  	s0 =	rddreg [dreg:$0x0];
	s2 =	stileid.u32  }
0x6f: {  	s1 =	rddreg [dreg:$0x1];
	p0 =	sne.s32 s2, $0x0  }
0x70: {  	s3 =	rddreg [dreg:$0x2];
	[bflag:$0x3] =	sbarrier.arrive $0xFFFF;
	s2 =	simm.s32 @!p0 $0x1C05  }
0x71: {  	[timem:s3], [sflag:s2] =	dma.local @!p0 [hbm:s0], s1  }
0x72: {  	s0 =	simm.s32 @!p0 $0x5  }
0x73: {  	_ =	swait.ge @!p0 [sflag:s0], s1  }
0x74: {  	s1 =	ssub.s32 @!p0 $0x0, s1;
	[sflag:s0] =	ssyncset.done @!p0 $0x0  }
0x75: {  	[sflag:s0] =	ssyncadd.s32 @!p0 s1  }
0x76: {  	[bflag:$0x3] =	sbarrier.arrive $0xFFFF  }
0x77: {  	_ =	shalt  }

</sc_bundles>
